<compile_context>
chip_gen: v7x
topology: tpu7x:2x2x1
jax: 0.10.2.dev20260603
libtpu: 0.0.44.dev20260713+nightly
codegen_flags: <defaults>
</compile_context>

<pallas_src>
import functools

import jax
import jax.numpy as jnp
from jax import lax
from jax.experimental import pallas as pl
from jax.experimental.pallas import tpu as pltpu
from jax.experimental.pallas import tpu_sc as plsc

_EMB = 128
_HALF = 64
_NG = 8192
_NA = 524288

_NC = 2
_NS = 16
_NW = _NC * _NS

_CHUNK = 64
_ROWS_PER_W = _NA // _NW
_NCHUNKS = _ROWS_PER_W // _CHUNK
_LEAD = 2


def _emb_body(t_ref, out_ref):
    t = t_ref[:, :]
    k = lax.broadcasted_iota(jnp.int32, (1, _EMB), 1).astype(jnp.float32)
    kmod = jnp.where(k < _HALF, k, k - _HALF)
    freqs = jnp.exp(-jnp.log(10000.0) * kmod / (_HALF - 1))
    phase = jnp.where(k < _HALF, 0.0, jnp.pi / 2.0)
    x = t * freqs + phase
    n = jnp.round(x * (1.0 / (2.0 * jnp.pi)))
    r = (x - n * 6.28125) - n * 1.9353071795864769e-3
    r2 = r * r
    p = 1.6059043836e-10
    for c in (-2.5052108385e-8, 2.7557319224e-6, -1.984126984e-4,
              8.3333333333e-3, -1.6666666666e-1):
        p = p * r2 + c
    out_ref[:, :] = r + r * (r2 * p)


def _emb_table(t_sampled):
    return pl.pallas_call(
        _emb_body,
        out_shape=jax.ShapeDtypeStruct((_NG, _EMB), jnp.float32),
    )(t_sampled)


_NBUF = 4
assert _NCHUNKS % _NBUF == 0
assert 0 < _LEAD < _NBUF


def _sc_gather_body(emb_hbm, batch_hbm, out_hbm, tbl_sh, idx_v, rows_v, gsem, ssem):
    sid = lax.axis_index("s")
    wid = sid * _NC + lax.axis_index("c")
    base = wid * _ROWS_PER_W

    trows = _NG // _NS
    pltpu.sync_copy(
        emb_hbm.at[pl.ds(sid * trows, trows)],
        tbl_sh.at[pl.ds(sid * trows, trows)],
    )

    pltpu.sync_copy(batch_hbm.at[wid], idx_v)
    plsc.subcore_barrier()

    def start_gather(j, b):
        pltpu.async_copy(tbl_sh.at[idx_v.at[j]], rows_v.at[b], gsem.at[b])

    def wait_gather(b):
        pltpu.make_async_copy(
            emb_hbm.at[pl.ds(0, _CHUNK)], rows_v.at[b], gsem.at[b]
        ).wait()

    def start_scatter(j, b):
        pltpu.async_copy(
            rows_v.at[b], out_hbm.at[pl.ds(base + j * _CHUNK, _CHUNK)], ssem.at[b]
        )

    def wait_scatter(b):
        pltpu.make_async_copy(
            emb_hbm.at[pl.ds(0, _CHUNK)], rows_v.at[b], ssem.at[b]
        ).wait()

    for j in range(_LEAD):
        start_gather(j, j)

    n_outer = _NCHUNKS // _NBUF

    def outer(go, carry):
        for b in range(_NBUF):
            g = go * _NBUF + b
            wait_gather(b)
            start_scatter(g, b)
            bg = (b + _LEAD) % _NBUF

            if b >= _NBUF - _LEAD:
                wait_scatter(bg)
            else:

                @pl.when(go > 0)
                def _():
                    wait_scatter(bg)

            if b < _NBUF - _LEAD:
                start_gather(g + _LEAD, bg)
            else:

                @pl.when(go < n_outer - 1)
                def _():
                    start_gather(g + _LEAD, bg)

        return carry

    lax.fori_loop(0, n_outer, outer, 0)

    for k in range(_NBUF - _LEAD):
        wait_scatter((_NCHUNKS - _NBUF + _LEAD + k) % _NBUF)


_sc_gather = functools.partial(
    pl.kernel,
    mesh=plsc.VectorSubcoreMesh(core_axis_name="c", subcore_axis_name="s"),
    out_type=jax.ShapeDtypeStruct((_NA, _EMB), jnp.float32),
    scratch_types=[
        pltpu.VMEM_SHARED((_NG, _EMB), jnp.float32),
        pltpu.VMEM((_NCHUNKS, _CHUNK), jnp.int32),
        pltpu.VMEM((_NBUF, _CHUNK, _EMB), jnp.float32),
        pltpu.SemaphoreType.DMA((_NBUF,)),
        pltpu.SemaphoreType.DMA((_NBUF,)),
    ],
)(_sc_gather_body)


def kernel(t_sampled, batch):
    emb = _emb_table(t_sampled.astype(jnp.float32))
    batch_r = batch.reshape(_NW, _NCHUNKS, _CHUNK)
    return _sc_gather(emb, batch_r)

# --- scband reference (transcript-rebuilt; emitter-appended) ---
"""Pipeline reference for scband-forward-flow-matching-module-65807488909818 (READ-ONLY COPY).

The authoritative reference and input builder live on the scoring server;
editing this copy changes nothing except your own understanding.
"""

import jax, jax.numpy as jnp
import numpy as np

EMB_DIM = 128
NUM_GRAPHS = 8192
N_ATOMS = 524288
TMAX = 100


def sinusoidal_embedding(t):
    # t: [B] float32 -> [B, EMB_DIM]
    half = EMB_DIM // 2
    freqs = jnp.exp(-jnp.log(10000.0) * jnp.arange(half, dtype=jnp.float32) / (half - 1))
    arg = t[:, None] * freqs[None, :]
    return jnp.concatenate([jnp.sin(arg), jnp.cos(arg)], axis=-1)


def setup_inputs(seed: int = 0) -> dict:
    key = jax.random.key(seed)
    k1, k2 = jax.random.split(key)
    # sampled flow times per graph in [0, Tmax-1)
    t_sampled = jax.random.uniform(k1, (NUM_GRAPHS, 1), dtype=jnp.float32) * float(TMAX - 1)
    # per-atom graph assignment, sorted (contiguous graphs), values in [0, NUM_GRAPHS)
    batch = jnp.sort(jax.random.randint(k2, (N_ATOMS,), 0, NUM_GRAPHS, dtype=jnp.int32))
    return {"t_sampled": t_sampled, "batch": batch}


def reference(t_sampled, batch):
    # _reverse path of ForwardFlowMatchingModule:
    #   t = data[T_SAMPLED_KEY].float()
    #   data[CONDITIONING_KEY] = self.t_embedder(t)[batch]
    t = t_sampled.astype(jnp.float32)[:, 0]          # [NUM_GRAPHS]
    emb = sinusoidal_embedding(t)                     # [NUM_GRAPHS, EMB_DIM]
    conditioning = jnp.take(emb, batch, axis=0)       # gather: [N_ATOMS, EMB_DIM]
    return conditioning

if __name__ == "__main__":
    import jax
    _d = setup_inputs()
    print(jax.jit(kernel)(*tuple(_d.values())))

</pallas_src>

<mosaic_0001>
#map = affine_map<(d0, d1) -> (0, 0)>
#map1 = affine_map<(d0, d1) -> (0, 0, 0)>
module attributes {stable_mosaic.version = 14 : i64} {
  func.func @_sc_gather_body(%arg0: i32, %arg1: i32, %arg2: memref<8192x128xf32, #tpu.memory_space<hbm>>, %arg3: memref<32x256x64xi32, #tpu.memory_space<hbm>>, %arg4: memref<524288x128xf32, #tpu.memory_space<hbm>>, %arg5: memref<8192x128xf32, #tpu.memory_space<vmem_shared>>, %arg6: memref<256x64xi32, #tpu.memory_space<vmem>>, %arg7: memref<4x64x128xf32, #tpu.memory_space<vmem>>, %arg8: memref<4x!tpu.dma_semaphore, #tpu.memory_space<semaphore_mem>>, %arg9: memref<4x!tpu.dma_semaphore, #tpu.memory_space<semaphore_mem>>) attributes {dimension_semantics = [#tpu.dimension_semantics<core_parallel>, #tpu.dimension_semantics<subcore_parallel>], iteration_bounds = array<i64: 2, 16>, scalar_prefetch = 0 : i64, scratch_operands = 5 : i64, tpu.core_type = #tpu.core_type<sc_vector_subcore>, window_params = [{transform_indices = #map}, {transform_indices = #map1}, {transform_indices = #map}]} {
    %mul3A = arith.constant 2 : i32
    %mul3A_0 = arith.muli %arg1, %mul3A : i32
    %add3A = arith.addi %mul3A_0, %arg0 : i32
    %mul3A_1 = arith.constant 16384 : i32
    %mul3A_2 = arith.muli %add3A, %mul3A_1 : i32
    %mul3A_3 = arith.constant 512 : i32
    %mul3A_4 = arith.muli %arg1, %mul3A_3 : i32
    %mul3A_5 = arith.constant 512 : i32
    %mul3A_6 = arith.muli %arg1, %mul3A_5 : i32
    "tpu.region"() ({
      %run_scoped3A = tpu.sem_alloc : memref<!tpu.dma_semaphore, #tpu.memory_space<semaphore_mem>>
      %dma_start3A_76 = arith.constant 0 : i32
      %dma_start3A_77 = tpu.memref_slice %arg5[%mul3A_6, %dma_start3A_76] : memref<8192x128xf32, #tpu.memory_space<vmem_shared>> -> memref<512x128xf32, #tpu.memory_space<vmem_shared>>
      %dma_start3A_78 = arith.constant 0 : i32
      %dma_start3A_79 = tpu.memref_slice %arg2[%mul3A_4, %dma_start3A_78] : memref<8192x128xf32, #tpu.memory_space<hbm>> -> memref<512x128xf32, #tpu.memory_space<hbm>>
      tpu.enqueue_dma source(%dma_start3A_79 : memref<512x128xf32, #tpu.memory_space<hbm>>) target(%dma_start3A_77 : memref<512x128xf32, #tpu.memory_space<vmem_shared>>) target_semaphore(%run_scoped3A : memref<!tpu.dma_semaphore, #tpu.memory_space<semaphore_mem>>)
      %dma_wait3A_80 = arith.constant 0 : i32
      %dma_wait3A_81 = tpu.memref_slice %arg5[%mul3A_6, %dma_wait3A_80] : memref<8192x128xf32, #tpu.memory_space<vmem_shared>> -> memref<512x128xf32, #tpu.memory_space<vmem_shared>>
      %dma_wait3A_82 = arith.constant 0 : i32
      %dma_wait3A_83 = tpu.memref_slice %arg2[%mul3A_4, %dma_wait3A_82] : memref<8192x128xf32, #tpu.memory_space<hbm>> -> memref<512x128xf32, #tpu.memory_space<hbm>>
      tpu.wait_dma2 semaphore(%run_scoped3A : memref<!tpu.dma_semaphore, #tpu.memory_space<semaphore_mem>>) src(%dma_wait3A_83 : memref<512x128xf32, #tpu.memory_space<hbm>>) dst(%dma_wait3A_81 : memref<512x128xf32, #tpu.memory_space<vmem_shared>>)
      tpu.yield
    }) : () -> ()
    "tpu.region"() ({
      %run_scoped3A = tpu.sem_alloc : memref<!tpu.dma_semaphore, #tpu.memory_space<semaphore_mem>>
      %dma_start3A_76 = arith.constant 0 : i32
      %dma_start3A_77 = arith.constant 0 : i32
      %dma_start3A_78 = tpu.memref_slice %arg3[%add3A, %dma_start3A_76, %dma_start3A_77] : memref<32x256x64xi32, #tpu.memory_space<hbm>> -> memref<1x256x64xi32, #tpu.memory_space<hbm>>
      %dma_start3A_79 = tpu.memref_squeeze %dma_start3A_78 : memref<1x256x64xi32, #tpu.memory_space<hbm>> -> memref<256x64xi32, #tpu.memory_space<hbm>>
      %dma_start3A_80 = arith.constant 0 : i32
      %dma_start3A_81 = arith.constant 0 : i32
      %dma_start3A_82 = tpu.memref_slice %arg3[%add3A, %dma_start3A_80, %dma_start3A_81] : memref<32x256x64xi32, #tpu.memory_space<hbm>> -> memref<1x256x64xi32, #tpu.memory_space<hbm>>
      %dma_start3A_83 = tpu.memref_squeeze %dma_start3A_82 : memref<1x256x64xi32, #tpu.memory_space<hbm>> -> memref<256x64xi32, #tpu.memory_space<hbm>>
      tpu.enqueue_dma source(%dma_start3A_83 : memref<256x64xi32, #tpu.memory_space<hbm>>) target(%arg6 : memref<256x64xi32, #tpu.memory_space<vmem>>) target_semaphore(%run_scoped3A : memref<!tpu.dma_semaphore, #tpu.memory_space<semaphore_mem>>)
      %dma_wait3A_84 = arith.constant 0 : i32
      %dma_wait3A_85 = arith.constant 0 : i32
      %dma_wait3A_86 = tpu.memref_slice %arg3[%add3A, %dma_wait3A_84, %dma_wait3A_85] : memref<32x256x64xi32, #tpu.memory_space<hbm>> -> memref<1x256x64xi32, #tpu.memory_space<hbm>>
      %dma_wait3A_87 = tpu.memref_squeeze %dma_wait3A_86 : memref<1x256x64xi32, #tpu.memory_space<hbm>> -> memref<256x64xi32, #tpu.memory_space<hbm>>
      %dma_wait3A_88 = arith.constant 0 : i32
      %dma_wait3A_89 = arith.constant 0 : i32
      %dma_wait3A_90 = tpu.memref_slice %arg3[%add3A, %dma_wait3A_88, %dma_wait3A_89] : memref<32x256x64xi32, #tpu.memory_space<hbm>> -> memref<1x256x64xi32, #tpu.memory_space<hbm>>
      %dma_wait3A_91 = tpu.memref_squeeze %dma_wait3A_90 : memref<1x256x64xi32, #tpu.memory_space<hbm>> -> memref<256x64xi32, #tpu.memory_space<hbm>>
      tpu.wait_dma2 semaphore(%run_scoped3A : memref<!tpu.dma_semaphore, #tpu.memory_space<semaphore_mem>>) src(%dma_wait3A_91 : memref<256x64xi32, #tpu.memory_space<hbm>>) dst(%arg6 : memref<256x64xi32, #tpu.memory_space<vmem>>)
      tpu.yield
    }) : () -> ()
    %barrier3A = arith.constant 0 : index
    tpu.barrier barrier_id(%barrier3A)
    %dma_start3A = arith.constant 0 : i32
    %dma_start3A_7 = arith.constant 0 : i32
    %dma_start3A_8 = arith.constant 0 : i32
    %dma_start3A_9 = arith.constant 0 : i32
    %dma_start3A_10 = arith.constant 0 : i32
    %dma_start3A_11 = tpu.memref_slice %arg7[%dma_start3A_7, %dma_start3A_9, %dma_start3A_10] : memref<4x64x128xf32, #tpu.memory_space<vmem>> -> memref<1x64x128xf32, #tpu.memory_space<vmem>>
    %dma_start3A_12 = tpu.memref_squeeze %dma_start3A_11 : memref<1x64x128xf32, #tpu.memory_space<vmem>> -> memref<64x128xf32, #tpu.memory_space<vmem>>
    %dma_start3A_13 = arith.constant 0 : i32
    %dma_start3A_14 = tpu.memref_slice %arg6[%dma_start3A, %dma_start3A_13] : memref<256x64xi32, #tpu.memory_space<vmem>> -> memref<1x64xi32, #tpu.memory_space<vmem>>
    %dma_start3A_15 = tpu.memref_squeeze %dma_start3A_14 : memref<1x64xi32, #tpu.memory_space<vmem>> -> memref<64xi32, #tpu.memory_space<vmem>>
    %dma_start3A_16 = arith.constant 0 : i32
    %dma_start3A_17 = arith.constant 0 : i32
    %dma_start3A_18 = tpu.memref_slice %arg5[%dma_start3A_16, %dma_start3A_17] : memref<8192x128xf32, #tpu.memory_space<vmem_shared>> -> memref<8192x128xf32, #tpu.memory_space<vmem_shared>>
    %dma_start3A_19 = tpu.memref_slice %arg8[%dma_start3A_8] : memref<4x!tpu.dma_semaphore, #tpu.memory_space<semaphore_mem>> -> memref<1x!tpu.dma_semaphore, #tpu.memory_space<semaphore_mem>>
    %dma_start3A_20 = tpu.memref_squeeze %dma_start3A_19 : memref<1x!tpu.dma_semaphore, #tpu.memory_space<semaphore_mem>> -> memref<!tpu.dma_semaphore, #tpu.memory_space<semaphore_mem>>
    tpu.enqueue_indirect_dma source(%dma_start3A_18 : memref<8192x128xf32, #tpu.memory_space<vmem_shared>>) target(%dma_start3A_12 : memref<64x128xf32, #tpu.memory_space<vmem>>) offsets(%dma_start3A_15 : memref<64xi32, #tpu.memory_space<vmem>>) semaphore(%dma_start3A_20 : memref<!tpu.dma_semaphore, #tpu.memory_space<semaphore_mem>>)
    %dma_start3A_21 = arith.constant 1 : i32
    %dma_start3A_22 = arith.constant 1 : i32
    %dma_start3A_23 = arith.constant 1 : i32
    %dma_start3A_24 = arith.constant 0 : i32
    %dma_start3A_25 = arith.constant 0 : i32
    %dma_start3A_26 = tpu.memref_slice %arg7[%dma_start3A_22, %dma_start3A_24, %dma_start3A_25] : memref<4x64x128xf32, #tpu.memory_space<vmem>> -> memref<1x64x128xf32, #tpu.memory_space<vmem>>
    %dma_start3A_27 = tpu.memref_squeeze %dma_start3A_26 : memref<1x64x128xf32, #tpu.memory_space<vmem>> -> memref<64x128xf32, #tpu.memory_space<vmem>>
    %dma_start3A_28 = arith.constant 0 : i32
    %dma_start3A_29 = tpu.memref_slice %arg6[%dma_start3A_21, %dma_start3A_28] : memref<256x64xi32, #tpu.memory_space<vmem>> -> memref<1x64xi32, #tpu.memory_space<vmem>>
    %dma_start3A_30 = tpu.memref_squeeze %dma_start3A_29 : memref<1x64xi32, #tpu.memory_space<vmem>> -> memref<64xi32, #tpu.memory_space<vmem>>
    %dma_start3A_31 = arith.constant 0 : i32
    %dma_start3A_32 = arith.constant 0 : i32
    %dma_start3A_33 = tpu.memref_slice %arg5[%dma_start3A_31, %dma_start3A_32] : memref<8192x128xf32, #tpu.memory_space<vmem_shared>> -> memref<8192x128xf32, #tpu.memory_space<vmem_shared>>
    %dma_start3A_34 = tpu.memref_slice %arg8[%dma_start3A_23] : memref<4x!tpu.dma_semaphore, #tpu.memory_space<semaphore_mem>> -> memref<1x!tpu.dma_semaphore, #tpu.memory_space<semaphore_mem>>
    %dma_start3A_35 = tpu.memref_squeeze %dma_start3A_34 : memref<1x!tpu.dma_semaphore, #tpu.memory_space<semaphore_mem>> -> memref<!tpu.dma_semaphore, #tpu.memory_space<semaphore_mem>>
    tpu.enqueue_indirect_dma source(%dma_start3A_33 : memref<8192x128xf32, #tpu.memory_space<vmem_shared>>) target(%dma_start3A_27 : memref<64x128xf32, #tpu.memory_space<vmem>>) offsets(%dma_start3A_30 : memref<64xi32, #tpu.memory_space<vmem>>) semaphore(%dma_start3A_35 : memref<!tpu.dma_semaphore, #tpu.memory_space<semaphore_mem>>)
    %scan3A = arith.constant 0 : i32
    %scan3A_36 = arith.constant 0 : i32
    %scan3A_37 = arith.constant 64 : i32
    %scan3A_38 = arith.addi %scan3A_36, %scan3A_37 : i32
    %scan3A_39 = arith.constant 1 : i32
    scf.for %scan3A_76 = %scan3A_36 to %scan3A_38 step %scan3A_39  : i32 {
      %mul3A_77 = arith.constant 4 : i32
      %mul3A_78 = arith.muli %scan3A_76, %mul3A_77 : i32
      %add3A_79 = arith.constant 0 : i32
      %add3A_80 = arith.addi %mul3A_78, %add3A_79 : i32
      %dma_wait3A_81 = arith.constant 0 : i32
      %dma_wait3A_82 = arith.constant 0 : i32
      %dma_wait3A_83 = arith.constant 0 : i32
      %dma_wait3A_84 = arith.constant 0 : i32
      %dma_wait3A_85 = tpu.memref_slice %arg7[%dma_wait3A_81, %dma_wait3A_83, %dma_wait3A_84] : memref<4x64x128xf32, #tpu.memory_space<vmem>> -> memref<1x64x128xf32, #tpu.memory_space<vmem>>
      %dma_wait3A_86 = tpu.memref_squeeze %dma_wait3A_85 : memref<1x64x128xf32, #tpu.memory_space<vmem>> -> memref<64x128xf32, #tpu.memory_space<vmem>>
      %dma_wait3A_87 = arith.constant 0 : i32
      %dma_wait3A_88 = arith.constant 0 : i32
      %dma_wait3A_89 = tpu.memref_slice %arg2[%dma_wait3A_87, %dma_wait3A_88] : memref<8192x128xf32, #tpu.memory_space<hbm>> -> memref<64x128xf32, #tpu.memory_space<hbm>>
      %dma_wait3A_90 = tpu.memref_slice %arg8[%dma_wait3A_82] : memref<4x!tpu.dma_semaphore, #tpu.memory_space<semaphore_mem>> -> memref<1x!tpu.dma_semaphore, #tpu.memory_space<semaphore_mem>>
      %dma_wait3A_91 = tpu.memref_squeeze %dma_wait3A_90 : memref<1x!tpu.dma_semaphore, #tpu.memory_space<semaphore_mem>> -> memref<!tpu.dma_semaphore, #tpu.memory_space<semaphore_mem>>
      %dma_wait3A_92 = arith.constant 0 : i32
      %dma_wait3A_93 = arith.constant 0 : i32
      %dma_wait3A_94 = tpu.memref_slice %arg7[%dma_wait3A_81, %dma_wait3A_92, %dma_wait3A_93] : memref<4x64x128xf32, #tpu.memory_space<vmem>> -> memref<1x64x128xf32, #tpu.memory_space<vmem>>
      %dma_wait3A_95 = tpu.memref_squeeze %dma_wait3A_94 : memref<1x64x128xf32, #tpu.memory_space<vmem>> -> memref<64x128xf32, #tpu.memory_space<vmem>>
      %dma_wait3A_96 = arith.constant 0 : i32
      %dma_wait3A_97 = arith.constant 0 : i32
      %dma_wait3A_98 = tpu.memref_slice %arg2[%dma_wait3A_96, %dma_wait3A_97] : memref<8192x128xf32, #tpu.memory_space<hbm>> -> memref<64x128xf32, #tpu.memory_space<hbm>>
      tpu.wait_dma2 semaphore(%dma_wait3A_91 : memref<!tpu.dma_semaphore, #tpu.memory_space<semaphore_mem>>) src(%dma_wait3A_98 : memref<64x128xf32, #tpu.memory_space<hbm>>) dst(%dma_wait3A_95 : memref<64x128xf32, #tpu.memory_space<vmem>>)
      %mul3A_99 = arith.constant 64 : i32
      %mul3A_100 = arith.muli %add3A_80, %mul3A_99 : i32
      %add3A_101 = arith.addi %mul3A_2, %mul3A_100 : i32
      %dma_start3A_102 = arith.constant 0 : i32
      %dma_start3A_103 = arith.constant 0 : i32
      %dma_start3A_104 = arith.constant 0 : i32
      %dma_start3A_105 = arith.constant 0 : i32
      %dma_start3A_106 = tpu.memref_slice %arg7[%dma_start3A_102, %dma_start3A_104, %dma_start3A_105] : memref<4x64x128xf32, #tpu.memory_space<vmem>> -> memref<1x64x128xf32, #tpu.memory_space<vmem>>
      %dma_start3A_107 = tpu.memref_squeeze %dma_start3A_106 : memref<1x64x128xf32, #tpu.memory_space<vmem>> -> memref<64x128xf32, #tpu.memory_space<vmem>>
      %dma_start3A_108 = arith.constant 0 : i32
      %dma_start3A_109 = tpu.memref_slice %arg4[%add3A_101, %dma_start3A_108] : memref<524288x128xf32, #tpu.memory_space<hbm>> -> memref<64x128xf32, #tpu.memory_space<hbm>>
      %dma_start3A_110 = tpu.memref_slice %arg9[%dma_start3A_103] : memref<4x!tpu.dma_semaphore, #tpu.memory_space<semaphore_mem>> -> memref<1x!tpu.dma_semaphore, #tpu.memory_space<semaphore_mem>>
      %dma_start3A_111 = tpu.memref_squeeze %dma_start3A_110 : memref<1x!tpu.dma_semaphore, #tpu.memory_space<semaphore_mem>> -> memref<!tpu.dma_semaphore, #tpu.memory_space<semaphore_mem>>
      %dma_start3A_112 = arith.constant 0 : i32
      %dma_start3A_113 = tpu.memref_slice %arg4[%add3A_101, %dma_start3A_112] : memref<524288x128xf32, #tpu.memory_space<hbm>> -> memref<64x128xf32, #tpu.memory_space<hbm>>
      %dma_start3A_114 = arith.constant 0 : i32
      %dma_start3A_115 = arith.constant 0 : i32
      %dma_start3A_116 = tpu.memref_slice %arg7[%dma_start3A_102, %dma_start3A_114, %dma_start3A_115] : memref<4x64x128xf32, #tpu.memory_space<vmem>> -> memref<1x64x128xf32, #tpu.memory_space<vmem>>
      %dma_start3A_117 = tpu.memref_squeeze %dma_start3A_116 : memref<1x64x128xf32, #tpu.memory_space<vmem>> -> memref<64x128xf32, #tpu.memory_space<vmem>>
      tpu.enqueue_dma source(%dma_start3A_117 : memref<64x128xf32, #tpu.memory_space<vmem>>) target(%dma_start3A_113 : memref<64x128xf32, #tpu.memory_space<hbm>>) target_semaphore(%dma_start3A_111 : memref<!tpu.dma_semaphore, #tpu.memory_space<semaphore_mem>>)
      %gt3A = arith.constant 0 : i32
      %gt3A_118 = arith.cmpi sgt, %scan3A_76, %gt3A : i32
      %convert_element_type3A = arith.extui %gt3A_118 : i1 to i32
      %cond3A = arith.constant 0 : i32
      %cond3A_119 = arith.cmpi ne, %convert_element_type3A, %cond3A : i32
      scf.if %cond3A_119 {
        %dma_wait3A_325 = arith.constant 2 : i32
        %dma_wait3A_326 = arith.constant 2 : i32
        %dma_wait3A_327 = arith.constant 0 : i32
        %dma_wait3A_328 = arith.constant 0 : i32
        %dma_wait3A_329 = tpu.memref_slice %arg7[%dma_wait3A_325, %dma_wait3A_327, %dma_wait3A_328] : memref<4x64x128xf32, #tpu.memory_space<vmem>> -> memref<1x64x128xf32, #tpu.memory_space<vmem>>
        %dma_wait3A_330 = tpu.memref_squeeze %dma_wait3A_329 : memref<1x64x128xf32, #tpu.memory_space<vmem>> -> memref<64x128xf32, #tpu.memory_space<vmem>>
        %dma_wait3A_331 = arith.constant 0 : i32
        %dma_wait3A_332 = arith.constant 0 : i32
        %dma_wait3A_333 = tpu.memref_slice %arg2[%dma_wait3A_331, %dma_wait3A_332] : memref<8192x128xf32, #tpu.memory_space<hbm>> -> memref<64x128xf32, #tpu.memory_space<hbm>>
        %dma_wait3A_334 = tpu.memref_slice %arg9[%dma_wait3A_326] : memref<4x!tpu.dma_semaphore, #tpu.memory_space<semaphore_mem>> -> memref<1x!tpu.dma_semaphore, #tpu.memory_space<semaphore_mem>>
        %dma_wait3A_335 = tpu.memref_squeeze %dma_wait3A_334 : memref<1x!tpu.dma_semaphore, #tpu.memory_space<semaphore_mem>> -> memref<!tpu.dma_semaphore, #tpu.memory_space<semaphore_mem>>
        %dma_wait3A_336 = arith.constant 0 : i32
        %dma_wait3A_337 = arith.constant 0 : i32
        %dma_wait3A_338 = tpu.memref_slice %arg7[%dma_wait3A_325, %dma_wait3A_336, %dma_wait3A_337] : memref<4x64x128xf32, #tpu.memory_space<vmem>> -> memref<1x64x128xf32, #tpu.memory_space<vmem>>
        %dma_wait3A_339 = tpu.memref_squeeze %dma_wait3A_338 : memref<1x64x128xf32, #tpu.memory_space<vmem>> -> memref<64x128xf32, #tpu.memory_space<vmem>>
        %dma_wait3A_340 = arith.constant 0 : i32
        %dma_wait3A_341 = arith.constant 0 : i32
        %dma_wait3A_342 = tpu.memref_slice %arg2[%dma_wait3A_340, %dma_wait3A_341] : memref<8192x128xf32, #tpu.memory_space<hbm>> -> memref<64x128xf32, #tpu.memory_space<hbm>>
        tpu.wait_dma2 semaphore(%dma_wait3A_335 : memref<!tpu.dma_semaphore, #tpu.memory_space<semaphore_mem>>) src(%dma_wait3A_342 : memref<64x128xf32, #tpu.memory_space<hbm>>) dst(%dma_wait3A_339 : memref<64x128xf32, #tpu.memory_space<vmem>>)
      } else {
      }
      %add3A_120 = arith.constant 2 : i32
      %add3A_121 = arith.addi %add3A_80, %add3A_120 : i32
      %dma_start3A_122 = arith.constant 2 : i32
      %dma_start3A_123 = arith.constant 2 : i32
      %dma_start3A_124 = arith.constant 0 : i32
      %dma_start3A_125 = arith.constant 0 : i32
      %dma_start3A_126 = tpu.memref_slice %arg7[%dma_start3A_122, %dma_start3A_124, %dma_start3A_125] : memref<4x64x128xf32, #tpu.memory_space<vmem>> -> memref<1x64x128xf32, #tpu.memory_space<vmem>>
      %dma_start3A_127 = tpu.memref_squeeze %dma_start3A_126 : memref<1x64x128xf32, #tpu.memory_space<vmem>> -> memref<64x128xf32, #tpu.memory_space<vmem>>
      %dma_start3A_128 = arith.constant 0 : i32
      %dma_start3A_129 = tpu.memref_slice %arg6[%add3A_121, %dma_start3A_128] : memref<256x64xi32, #tpu.memory_space<vmem>> -> memref<1x64xi32, #tpu.memory_space<vmem>>
      %dma_start3A_130 = tpu.memref_squeeze %dma_start3A_129 : memref<1x64xi32, #tpu.memory_space<vmem>> -> memref<64xi32, #tpu.memory_space<vmem>>
      %dma_start3A_131 = arith.constant 0 : i32
      %dma_start3A_132 = arith.constant 0 : i32
      %dma_start3A_133 = tpu.memref_slice %arg5[%dma_start3A_131, %dma_start3A_132] : memref<8192x128xf32, #tpu.memory_space<vmem_shared>> -> memref<8192x128xf32, #tpu.memory_space<vmem_shared>>
      %dma_start3A_134 = tpu.memref_slice %arg8[%dma_start3A_123] : memref<4x!tpu.dma_semaphore, #tpu.memory_space<semaphore_mem>> -> memref<1x!tpu.dma_semaphore, #tpu.memory_space<semaphore_mem>>
      %dma_start3A_135 = tpu.memref_squeeze %dma_start3A_134 : memref<1x!tpu.dma_semaphore, #tpu.memory_space<semaphore_mem>> -> memref<!tpu.dma_semaphore, #tpu.memory_space<semaphore_mem>>
      tpu.enqueue_indirect_dma source(%dma_start3A_133 : memref<8192x128xf32, #tpu.memory_space<vmem_shared>>) target(%dma_start3A_127 : memref<64x128xf32, #tpu.memory_space<vmem>>) offsets(%dma_start3A_130 : memref<64xi32, #tpu.memory_space<vmem>>) semaphore(%dma_start3A_135 : memref<!tpu.dma_semaphore, #tpu.memory_space<semaphore_mem>>)
      %mul3A_136 = arith.constant 4 : i32
      %mul3A_137 = arith.muli %scan3A_76, %mul3A_136 : i32
      %add3A_138 = arith.constant 1 : i32
      %add3A_139 = arith.addi %mul3A_137, %add3A_138 : i32
      %dma_wait3A_140 = arith.constant 1 : i32
      %dma_wait3A_141 = arith.constant 1 : i32
      %dma_wait3A_142 = arith.constant 0 : i32
      %dma_wait3A_143 = arith.constant 0 : i32
      %dma_wait3A_144 = tpu.memref_slice %arg7[%dma_wait3A_140, %dma_wait3A_142, %dma_wait3A_143] : memref<4x64x128xf32, #tpu.memory_space<vmem>> -> memref<1x64x128xf32, #tpu.memory_space<vmem>>
      %dma_wait3A_145 = tpu.memref_squeeze %dma_wait3A_144 : memref<1x64x128xf32, #tpu.memory_space<vmem>> -> memref<64x128xf32, #tpu.memory_space<vmem>>
      %dma_wait3A_146 = arith.constant 0 : i32
      %dma_wait3A_147 = arith.constant 0 : i32
      %dma_wait3A_148 = tpu.memref_slice %arg2[%dma_wait3A_146, %dma_wait3A_147] : memref<8192x128xf32, #tpu.memory_space<hbm>> -> memref<64x128xf32, #tpu.memory_space<hbm>>
      %dma_wait3A_149 = tpu.memref_slice %arg8[%dma_wait3A_141] : memref<4x!tpu.dma_semaphore, #tpu.memory_space<semaphore_mem>> -> memref<1x!tpu.dma_semaphore, #tpu.memory_space<semaphore_mem>>
      %dma_wait3A_150 = tpu.memref_squeeze %dma_wait3A_149 : memref<1x!tpu.dma_semaphore, #tpu.memory_space<semaphore_mem>> -> memref<!tpu.dma_semaphore, #tpu.memory_space<semaphore_mem>>
      %dma_wait3A_151 = arith.constant 0 : i32
      %dma_wait3A_152 = arith.constant 0 : i32
      %dma_wait3A_153 = tpu.memref_slice %arg7[%dma_wait3A_140, %dma_wait3A_151, %dma_wait3A_152] : memref<4x64x128xf32, #tpu.memory_space<vmem>> -> memref<1x64x128xf32, #tpu.memory_space<vmem>>
      %dma_wait3A_154 = tpu.memref_squeeze %dma_wait3A_153 : memref<1x64x128xf32, #tpu.memory_space<vmem>> -> memref<64x128xf32, #tpu.memory_space<vmem>>
      %dma_wait3A_155 = arith.constant 0 : i32
      %dma_wait3A_156 = arith.constant 0 : i32
      %dma_wait3A_157 = tpu.memref_slice %arg2[%dma_wait3A_155, %dma_wait3A_156] : memref<8192x128xf32, #tpu.memory_space<hbm>> -> memref<64x128xf32, #tpu.memory_space<hbm>>
      tpu.wait_dma2 semaphore(%dma_wait3A_150 : memref<!tpu.dma_semaphore, #tpu.memory_space<semaphore_mem>>) src(%dma_wait3A_157 : memref<64x128xf32, #tpu.memory_space<hbm>>) dst(%dma_wait3A_154 : memref<64x128xf32, #tpu.memory_space<vmem>>)
      %mul3A_158 = arith.constant 64 : i32
      %mul3A_159 = arith.muli %add3A_139, %mul3A_158 : i32
      %add3A_160 = arith.addi %mul3A_2, %mul3A_159 : i32
      %dma_start3A_161 = arith.constant 1 : i32
      %dma_start3A_162 = arith.constant 1 : i32
      %dma_start3A_163 = arith.constant 0 : i32
      %dma_start3A_164 = arith.constant 0 : i32
      %dma_start3A_165 = tpu.memref_slice %arg7[%dma_start3A_161, %dma_start3A_163, %dma_start3A_164] : memref<4x64x128xf32, #tpu.memory_space<vmem>> -> memref<1x64x128xf32, #tpu.memory_space<vmem>>
      %dma_start3A_166 = tpu.memref_squeeze %dma_start3A_165 : memref<1x64x128xf32, #tpu.memory_space<vmem>> -> memref<64x128xf32, #tpu.memory_space<vmem>>
      %dma_start3A_167 = arith.constant 0 : i32
      %dma_start3A_168 = tpu.memref_slice %arg4[%add3A_160, %dma_start3A_167] : memref<524288x128xf32, #tpu.memory_space<hbm>> -> memref<64x128xf32, #tpu.memory_space<hbm>>
      %dma_start3A_169 = tpu.memref_slice %arg9[%dma_start3A_162] : memref<4x!tpu.dma_semaphore, #tpu.memory_space<semaphore_mem>> -> memref<1x!tpu.dma_semaphore, #tpu.memory_space<semaphore_mem>>
      %dma_start3A_170 = tpu.memref_squeeze %dma_start3A_169 : memref<1x!tpu.dma_semaphore, #tpu.memory_space<semaphore_mem>> -> memref<!tpu.dma_semaphore, #tpu.memory_space<semaphore_mem>>
      %dma_start3A_171 = arith.constant 0 : i32
      %dma_start3A_172 = tpu.memref_slice %arg4[%add3A_160, %dma_start3A_171] : memref<524288x128xf32, #tpu.memory_space<hbm>> -> memref<64x128xf32, #tpu.memory_space<hbm>>
      %dma_start3A_173 = arith.constant 0 : i32
      %dma_start3A_174 = arith.constant 0 : i32
      %dma_start3A_175 = tpu.memref_slice %arg7[%dma_start3A_161, %dma_start3A_173, %dma_start3A_174] : memref<4x64x128xf32, #tpu.memory_space<vmem>> -> memref<1x64x128xf32, #tpu.memory_space<vmem>>
      %dma_start3A_176 = tpu.memref_squeeze %dma_start3A_175 : memref<1x64x128xf32, #tpu.memory_space<vmem>> -> memref<64x128xf32, #tpu.memory_space<vmem>>
      tpu.enqueue_dma source(%dma_start3A_176 : memref<64x128xf32, #tpu.memory_space<vmem>>) target(%dma_start3A_172 : memref<64x128xf32, #tpu.memory_space<hbm>>) target_semaphore(%dma_start3A_170 : memref<!tpu.dma_semaphore, #tpu.memory_space<semaphore_mem>>)
      %gt3A_177 = arith.constant 0 : i32
      %gt3A_178 = arith.cmpi sgt, %scan3A_76, %gt3A_177 : i32
      %convert_element_type3A_179 = arith.extui %gt3A_178 : i1 to i32
      %cond3A_180 = arith.constant 0 : i32
      %cond3A_181 = arith.cmpi ne, %convert_element_type3A_179, %cond3A_180 : i32
      scf.if %cond3A_181 {
        %dma_wait3A_325 = arith.constant 3 : i32
        %dma_wait3A_326 = arith.constant 3 : i32
        %dma_wait3A_327 = arith.constant 0 : i32
        %dma_wait3A_328 = arith.constant 0 : i32
        %dma_wait3A_329 = tpu.memref_slice %arg7[%dma_wait3A_325, %dma_wait3A_327, %dma_wait3A_328] : memref<4x64x128xf32, #tpu.memory_space<vmem>> -> memref<1x64x128xf32, #tpu.memory_space<vmem>>
        %dma_wait3A_330 = tpu.memref_squeeze %dma_wait3A_329 : memref<1x64x128xf32, #tpu.memory_space<vmem>> -> memref<64x128xf32, #tpu.memory_space<vmem>>
        %dma_wait3A_331 = arith.constant 0 : i32
        %dma_wait3A_332 = arith.constant 0 : i32
        %dma_wait3A_333 = tpu.memref_slice %arg2[%dma_wait3A_331, %dma_wait3A_332] : memref<8192x128xf32, #tpu.memory_space<hbm>> -> memref<64x128xf32, #tpu.memory_space<hbm>>
        %dma_wait3A_334 = tpu.memref_slice %arg9[%dma_wait3A_326] : memref<4x!tpu.dma_semaphore, #tpu.memory_space<semaphore_mem>> -> memref<1x!tpu.dma_semaphore, #tpu.memory_space<semaphore_mem>>
        %dma_wait3A_335 = tpu.memref_squeeze %dma_wait3A_334 : memref<1x!tpu.dma_semaphore, #tpu.memory_space<semaphore_mem>> -> memref<!tpu.dma_semaphore, #tpu.memory_space<semaphore_mem>>
        %dma_wait3A_336 = arith.constant 0 : i32
        %dma_wait3A_337 = arith.constant 0 : i32
        %dma_wait3A_338 = tpu.memref_slice %arg7[%dma_wait3A_325, %dma_wait3A_336, %dma_wait3A_337] : memref<4x64x128xf32, #tpu.memory_space<vmem>> -> memref<1x64x128xf32, #tpu.memory_space<vmem>>
        %dma_wait3A_339 = tpu.memref_squeeze %dma_wait3A_338 : memref<1x64x128xf32, #tpu.memory_space<vmem>> -> memref<64x128xf32, #tpu.memory_space<vmem>>
        %dma_wait3A_340 = arith.constant 0 : i32
        %dma_wait3A_341 = arith.constant 0 : i32
        %dma_wait3A_342 = tpu.memref_slice %arg2[%dma_wait3A_340, %dma_wait3A_341] : memref<8192x128xf32, #tpu.memory_space<hbm>> -> memref<64x128xf32, #tpu.memory_space<hbm>>
        tpu.wait_dma2 semaphore(%dma_wait3A_335 : memref<!tpu.dma_semaphore, #tpu.memory_space<semaphore_mem>>) src(%dma_wait3A_342 : memref<64x128xf32, #tpu.memory_space<hbm>>) dst(%dma_wait3A_339 : memref<64x128xf32, #tpu.memory_space<vmem>>)
      } else {
      }
      %add3A_182 = arith.constant 2 : i32
      %add3A_183 = arith.addi %add3A_139, %add3A_182 : i32
      %dma_start3A_184 = arith.constant 3 : i32
      %dma_start3A_185 = arith.constant 3 : i32
      %dma_start3A_186 = arith.constant 0 : i32
      %dma_start3A_187 = arith.constant 0 : i32
      %dma_start3A_188 = tpu.memref_slice %arg7[%dma_start3A_184, %dma_start3A_186, %dma_start3A_187] : memref<4x64x128xf32, #tpu.memory_space<vmem>> -> memref<1x64x128xf32, #tpu.memory_space<vmem>>
      %dma_start3A_189 = tpu.memref_squeeze %dma_start3A_188 : memref<1x64x128xf32, #tpu.memory_space<vmem>> -> memref<64x128xf32, #tpu.memory_space<vmem>>
      %dma_start3A_190 = arith.constant 0 : i32
      %dma_start3A_191 = tpu.memref_slice %arg6[%add3A_183, %dma_start3A_190] : memref<256x64xi32, #tpu.memory_space<vmem>> -> memref<1x64xi32, #tpu.memory_space<vmem>>
      %dma_start3A_192 = tpu.memref_squeeze %dma_start3A_191 : memref<1x64xi32, #tpu.memory_space<vmem>> -> memref<64xi32, #tpu.memory_space<vmem>>
      %dma_start3A_193 = arith.constant 0 : i32
      %dma_start3A_194 = arith.constant 0 : i32
      %dma_start3A_195 = tpu.memref_slice %arg5[%dma_start3A_193, %dma_start3A_194] : memref<8192x128xf32, #tpu.memory_space<vmem_shared>> -> memref<8192x128xf32, #tpu.memory_space<vmem_shared>>
      %dma_start3A_196 = tpu.memref_slice %arg8[%dma_start3A_185] : memref<4x!tpu.dma_semaphore, #tpu.memory_space<semaphore_mem>> -> memref<1x!tpu.dma_semaphore, #tpu.memory_space<semaphore_mem>>
      %dma_start3A_197 = tpu.memref_squeeze %dma_start3A_196 : memref<1x!tpu.dma_semaphore, #tpu.memory_space<semaphore_mem>> -> memref<!tpu.dma_semaphore, #tpu.memory_space<semaphore_mem>>
      tpu.enqueue_indirect_dma source(%dma_start3A_195 : memref<8192x128xf32, #tpu.memory_space<vmem_shared>>) target(%dma_start3A_189 : memref<64x128xf32, #tpu.memory_space<vmem>>) offsets(%dma_start3A_192 : memref<64xi32, #tpu.memory_space<vmem>>) semaphore(%dma_start3A_197 : memref<!tpu.dma_semaphore, #tpu.memory_space<semaphore_mem>>)
      %mul3A_198 = arith.constant 4 : i32
      %mul3A_199 = arith.muli %scan3A_76, %mul3A_198 : i32
      %add3A_200 = arith.constant 2 : i32
      %add3A_201 = arith.addi %mul3A_199, %add3A_200 : i32
      %dma_wait3A_202 = arith.constant 2 : i32
      %dma_wait3A_203 = arith.constant 2 : i32
      %dma_wait3A_204 = arith.constant 0 : i32
      %dma_wait3A_205 = arith.constant 0 : i32
      %dma_wait3A_206 = tpu.memref_slice %arg7[%dma_wait3A_202, %dma_wait3A_204, %dma_wait3A_205] : memref<4x64x128xf32, #tpu.memory_space<vmem>> -> memref<1x64x128xf32, #tpu.memory_space<vmem>>
      %dma_wait3A_207 = tpu.memref_squeeze %dma_wait3A_206 : memref<1x64x128xf32, #tpu.memory_space<vmem>> -> memref<64x128xf32, #tpu.memory_space<vmem>>
      %dma_wait3A_208 = arith.constant 0 : i32
      %dma_wait3A_209 = arith.constant 0 : i32
      %dma_wait3A_210 = tpu.memref_slice %arg2[%dma_wait3A_208, %dma_wait3A_209] : memref<8192x128xf32, #tpu.memory_space<hbm>> -> memref<64x128xf32, #tpu.memory_space<hbm>>
      %dma_wait3A_211 = tpu.memref_slice %arg8[%dma_wait3A_203] : memref<4x!tpu.dma_semaphore, #tpu.memory_space<semaphore_mem>> -> memref<1x!tpu.dma_semaphore, #tpu.memory_space<semaphore_mem>>
      %dma_wait3A_212 = tpu.memref_squeeze %dma_wait3A_211 : memref<1x!tpu.dma_semaphore, #tpu.memory_space<semaphore_mem>> -> memref<!tpu.dma_semaphore, #tpu.memory_space<semaphore_mem>>
      %dma_wait3A_213 = arith.constant 0 : i32
      %dma_wait3A_214 = arith.constant 0 : i32
      %dma_wait3A_215 = tpu.memref_slice %arg7[%dma_wait3A_202, %dma_wait3A_213, %dma_wait3A_214] : memref<4x64x128xf32, #tpu.memory_space<vmem>> -> memref<1x64x128xf32, #tpu.memory_space<vmem>>
      %dma_wait3A_216 = tpu.memref_squeeze %dma_wait3A_215 : memref<1x64x128xf32, #tpu.memory_space<vmem>> -> memref<64x128xf32, #tpu.memory_space<vmem>>
      %dma_wait3A_217 = arith.constant 0 : i32
      %dma_wait3A_218 = arith.constant 0 : i32
      %dma_wait3A_219 = tpu.memref_slice %arg2[%dma_wait3A_217, %dma_wait3A_218] : memref<8192x128xf32, #tpu.memory_space<hbm>> -> memref<64x128xf32, #tpu.memory_space<hbm>>
      tpu.wait_dma2 semaphore(%dma_wait3A_212 : memref<!tpu.dma_semaphore, #tpu.memory_space<semaphore_mem>>) src(%dma_wait3A_219 : memref<64x128xf32, #tpu.memory_space<hbm>>) dst(%dma_wait3A_216 : memref<64x128xf32, #tpu.memory_space<vmem>>)
      %mul3A_220 = arith.constant 64 : i32
      %mul3A_221 = arith.muli %add3A_201, %mul3A_220 : i32
      %add3A_222 = arith.addi %mul3A_2, %mul3A_221 : i32
      %dma_start3A_223 = arith.constant 2 : i32
      %dma_start3A_224 = arith.constant 2 : i32
      %dma_start3A_225 = arith.constant 0 : i32
      %dma_start3A_226 = arith.constant 0 : i32
      %dma_start3A_227 = tpu.memref_slice %arg7[%dma_start3A_223, %dma_start3A_225, %dma_start3A_226] : memref<4x64x128xf32, #tpu.memory_space<vmem>> -> memref<1x64x128xf32, #tpu.memory_space<vmem>>
      %dma_start3A_228 = tpu.memref_squeeze %dma_start3A_227 : memref<1x64x128xf32, #tpu.memory_space<vmem>> -> memref<64x128xf32, #tpu.memory_space<vmem>>
      %dma_start3A_229 = arith.constant 0 : i32
      %dma_start3A_230 = tpu.memref_slice %arg4[%add3A_222, %dma_start3A_229] : memref<524288x128xf32, #tpu.memory_space<hbm>> -> memref<64x128xf32, #tpu.memory_space<hbm>>
      %dma_start3A_231 = tpu.memref_slice %arg9[%dma_start3A_224] : memref<4x!tpu.dma_semaphore, #tpu.memory_space<semaphore_mem>> -> memref<1x!tpu.dma_semaphore, #tpu.memory_space<semaphore_mem>>
      %dma_start3A_232 = tpu.memref_squeeze %dma_start3A_231 : memref<1x!tpu.dma_semaphore, #tpu.memory_space<semaphore_mem>> -> memref<!tpu.dma_semaphore, #tpu.memory_space<semaphore_mem>>
      %dma_start3A_233 = arith.constant 0 : i32
      %dma_start3A_234 = tpu.memref_slice %arg4[%add3A_222, %dma_start3A_233] : memref<524288x128xf32, #tpu.memory_space<hbm>> -> memref<64x128xf32, #tpu.memory_space<hbm>>
      %dma_start3A_235 = arith.constant 0 : i32
      %dma_start3A_236 = arith.constant 0 : i32
      %dma_start3A_237 = tpu.memref_slice %arg7[%dma_start3A_223, %dma_start3A_235, %dma_start3A_236] : memref<4x64x128xf32, #tpu.memory_space<vmem>> -> memref<1x64x128xf32, #tpu.memory_space<vmem>>
      %dma_start3A_238 = tpu.memref_squeeze %dma_start3A_237 : memref<1x64x128xf32, #tpu.memory_space<vmem>> -> memref<64x128xf32, #tpu.memory_space<vmem>>
      tpu.enqueue_dma source(%dma_start3A_238 : memref<64x128xf32, #tpu.memory_space<vmem>>) target(%dma_start3A_234 : memref<64x128xf32, #tpu.memory_space<hbm>>) target_semaphore(%dma_start3A_232 : memref<!tpu.dma_semaphore, #tpu.memory_space<semaphore_mem>>)
      %dma_wait3A_239 = arith.constant 0 : i32
      %dma_wait3A_240 = arith.constant 0 : i32
      %dma_wait3A_241 = arith.constant 0 : i32
      %dma_wait3A_242 = arith.constant 0 : i32
      %dma_wait3A_243 = tpu.memref_slice %arg7[%dma_wait3A_239, %dma_wait3A_241, %dma_wait3A_242] : memref<4x64x128xf32, #tpu.memory_space<vmem>> -> memref<1x64x128xf32, #tpu.memory_space<vmem>>
      %dma_wait3A_244 = tpu.memref_squeeze %dma_wait3A_243 : memref<1x64x128xf32, #tpu.memory_space<vmem>> -> memref<64x128xf32, #tpu.memory_space<vmem>>
      %dma_wait3A_245 = arith.constant 0 : i32
      %dma_wait3A_246 = arith.constant 0 : i32
      %dma_wait3A_247 = tpu.memref_slice %arg2[%dma_wait3A_245, %dma_wait3A_246] : memref<8192x128xf32, #tpu.memory_space<hbm>> -> memref<64x128xf32, #tpu.memory_space<hbm>>
      %dma_wait3A_248 = tpu.memref_slice %arg9[%dma_wait3A_240] : memref<4x!tpu.dma_semaphore, #tpu.memory_space<semaphore_mem>> -> memref<1x!tpu.dma_semaphore, #tpu.memory_space<semaphore_mem>>
      %dma_wait3A_249 = tpu.memref_squeeze %dma_wait3A_248 : memref<1x!tpu.dma_semaphore, #tpu.memory_space<semaphore_mem>> -> memref<!tpu.dma_semaphore, #tpu.memory_space<semaphore_mem>>
      %dma_wait3A_250 = arith.constant 0 : i32
      %dma_wait3A_251 = arith.constant 0 : i32
      %dma_wait3A_252 = tpu.memref_slice %arg7[%dma_wait3A_239, %dma_wait3A_250, %dma_wait3A_251] : memref<4x64x128xf32, #tpu.memory_space<vmem>> -> memref<1x64x128xf32, #tpu.memory_space<vmem>>
      %dma_wait3A_253 = tpu.memref_squeeze %dma_wait3A_252 : memref<1x64x128xf32, #tpu.memory_space<vmem>> -> memref<64x128xf32, #tpu.memory_space<vmem>>
      %dma_wait3A_254 = arith.constant 0 : i32
      %dma_wait3A_255 = arith.constant 0 : i32
      %dma_wait3A_256 = tpu.memref_slice %arg2[%dma_wait3A_254, %dma_wait3A_255] : memref<8192x128xf32, #tpu.memory_space<hbm>> -> memref<64x128xf32, #tpu.memory_space<hbm>>
      tpu.wait_dma2 semaphore(%dma_wait3A_249 : memref<!tpu.dma_semaphore, #tpu.memory_space<semaphore_mem>>) src(%dma_wait3A_256 : memref<64x128xf32, #tpu.memory_space<hbm>>) dst(%dma_wait3A_253 : memref<64x128xf32, #tpu.memory_space<vmem>>)
      %lt3A = arith.constant 63 : i32
      %lt3A_257 = arith.cmpi slt, %scan3A_76, %lt3A : i32
      %convert_element_type3A_258 = arith.extui %lt3A_257 : i1 to i32
      %cond3A_259 = arith.constant 0 : i32
      %cond3A_260 = arith.cmpi ne, %convert_element_type3A_258, %cond3A_259 : i32
      scf.if %cond3A_260 {
        %add3A_325 = arith.constant 2 : i32
        %add3A_326 = arith.addi %add3A_201, %add3A_325 : i32
        %dma_start3A_327 = arith.constant 0 : i32
        %dma_start3A_328 = arith.constant 0 : i32
        %dma_start3A_329 = arith.constant 0 : i32
        %dma_start3A_330 = arith.constant 0 : i32
        %dma_start3A_331 = tpu.memref_slice %arg7[%dma_start3A_327, %dma_start3A_329, %dma_start3A_330] : memref<4x64x128xf32, #tpu.memory_space<vmem>> -> memref<1x64x128xf32, #tpu.memory_space<vmem>>
        %dma_start3A_332 = tpu.memref_squeeze %dma_start3A_331 : memref<1x64x128xf32, #tpu.memory_space<vmem>> -> memref<64x128xf32, #tpu.memory_space<vmem>>
        %dma_start3A_333 = arith.constant 0 : i32
        %dma_start3A_334 = tpu.memref_slice %arg6[%add3A_326, %dma_start3A_333] : memref<256x64xi32, #tpu.memory_space<vmem>> -> memref<1x64xi32, #tpu.memory_space<vmem>>
        %dma_start3A_335 = tpu.memref_squeeze %dma_start3A_334 : memref<1x64xi32, #tpu.memory_space<vmem>> -> memref<64xi32, #tpu.memory_space<vmem>>
        %dma_start3A_336 = arith.constant 0 : i32
        %dma_start3A_337 = arith.constant 0 : i32
        %dma_start3A_338 = tpu.memref_slice %arg5[%dma_start3A_336, %dma_start3A_337] : memref<8192x128xf32, #tpu.memory_space<vmem_shared>> -> memref<8192x128xf32, #tpu.memory_space<vmem_shared>>
        %dma_start3A_339 = tpu.memref_slice %arg8[%dma_start3A_328] : memref<4x!tpu.dma_semaphore, #tpu.memory_space<semaphore_mem>> -> memref<1x!tpu.dma_semaphore, #tpu.memory_space<semaphore_mem>>
        %dma_start3A_340 = tpu.memref_squeeze %dma_start3A_339 : memref<1x!tpu.dma_semaphore, #tpu.memory_space<semaphore_mem>> -> memref<!tpu.dma_semaphore, #tpu.memory_space<semaphore_mem>>
        tpu.enqueue_indirect_dma source(%dma_start3A_338 : memref<8192x128xf32, #tpu.memory_space<vmem_shared>>) target(%dma_start3A_332 : memref<64x128xf32, #tpu.memory_space<vmem>>) offsets(%dma_start3A_335 : memref<64xi32, #tpu.memory_space<vmem>>) semaphore(%dma_start3A_340 : memref<!tpu.dma_semaphore, #tpu.memory_space<semaphore_mem>>)
      } else {
      }
      %mul3A_261 = arith.constant 4 : i32
      %mul3A_262 = arith.muli %scan3A_76, %mul3A_261 : i32
      %add3A_263 = arith.constant 3 : i32
      %add3A_264 = arith.addi %mul3A_262, %add3A_263 : i32
      %dma_wait3A_265 = arith.constant 3 : i32
      %dma_wait3A_266 = arith.constant 3 : i32
      %dma_wait3A_267 = arith.constant 0 : i32
      %dma_wait3A_268 = arith.constant 0 : i32
      %dma_wait3A_269 = tpu.memref_slice %arg7[%dma_wait3A_265, %dma_wait3A_267, %dma_wait3A_268] : memref<4x64x128xf32, #tpu.memory_space<vmem>> -> memref<1x64x128xf32, #tpu.memory_space<vmem>>
      %dma_wait3A_270 = tpu.memref_squeeze %dma_wait3A_269 : memref<1x64x128xf32, #tpu.memory_space<vmem>> -> memref<64x128xf32, #tpu.memory_space<vmem>>
      %dma_wait3A_271 = arith.constant 0 : i32
      %dma_wait3A_272 = arith.constant 0 : i32
      %dma_wait3A_273 = tpu.memref_slice %arg2[%dma_wait3A_271, %dma_wait3A_272] : memref<8192x128xf32, #tpu.memory_space<hbm>> -> memref<64x128xf32, #tpu.memory_space<hbm>>
      %dma_wait3A_274 = tpu.memref_slice %arg8[%dma_wait3A_266] : memref<4x!tpu.dma_semaphore, #tpu.memory_space<semaphore_mem>> -> memref<1x!tpu.dma_semaphore, #tpu.memory_space<semaphore_mem>>
      %dma_wait3A_275 = tpu.memref_squeeze %dma_wait3A_274 : memref<1x!tpu.dma_semaphore, #tpu.memory_space<semaphore_mem>> -> memref<!tpu.dma_semaphore, #tpu.memory_space<semaphore_mem>>
      %dma_wait3A_276 = arith.constant 0 : i32
      %dma_wait3A_277 = arith.constant 0 : i32
      %dma_wait3A_278 = tpu.memref_slice %arg7[%dma_wait3A_265, %dma_wait3A_276, %dma_wait3A_277] : memref<4x64x128xf32, #tpu.memory_space<vmem>> -> memref<1x64x128xf32, #tpu.memory_space<vmem>>
      %dma_wait3A_279 = tpu.memref_squeeze %dma_wait3A_278 : memref<1x64x128xf32, #tpu.memory_space<vmem>> -> memref<64x128xf32, #tpu.memory_space<vmem>>
      %dma_wait3A_280 = arith.constant 0 : i32
      %dma_wait3A_281 = arith.constant 0 : i32
      %dma_wait3A_282 = tpu.memref_slice %arg2[%dma_wait3A_280, %dma_wait3A_281] : memref<8192x128xf32, #tpu.memory_space<hbm>> -> memref<64x128xf32, #tpu.memory_space<hbm>>
      tpu.wait_dma2 semaphore(%dma_wait3A_275 : memref<!tpu.dma_semaphore, #tpu.memory_space<semaphore_mem>>) src(%dma_wait3A_282 : memref<64x128xf32, #tpu.memory_space<hbm>>) dst(%dma_wait3A_279 : memref<64x128xf32, #tpu.memory_space<vmem>>)
      %mul3A_283 = arith.constant 64 : i32
      %mul3A_284 = arith.muli %add3A_264, %mul3A_283 : i32
      %add3A_285 = arith.addi %mul3A_2, %mul3A_284 : i32
      %dma_start3A_286 = arith.constant 3 : i32
      %dma_start3A_287 = arith.constant 3 : i32
      %dma_start3A_288 = arith.constant 0 : i32
      %dma_start3A_289 = arith.constant 0 : i32
      %dma_start3A_290 = tpu.memref_slice %arg7[%dma_start3A_286, %dma_start3A_288, %dma_start3A_289] : memref<4x64x128xf32, #tpu.memory_space<vmem>> -> memref<1x64x128xf32, #tpu.memory_space<vmem>>
      %dma_start3A_291 = tpu.memref_squeeze %dma_start3A_290 : memref<1x64x128xf32, #tpu.memory_space<vmem>> -> memref<64x128xf32, #tpu.memory_space<vmem>>
      %dma_start3A_292 = arith.constant 0 : i32
      %dma_start3A_293 = tpu.memref_slice %arg4[%add3A_285, %dma_start3A_292] : memref<524288x128xf32, #tpu.memory_space<hbm>> -> memref<64x128xf32, #tpu.memory_space<hbm>>
      %dma_start3A_294 = tpu.memref_slice %arg9[%dma_start3A_287] : memref<4x!tpu.dma_semaphore, #tpu.memory_space<semaphore_mem>> -> memref<1x!tpu.dma_semaphore, #tpu.memory_space<semaphore_mem>>
      %dma_start3A_295 = tpu.memref_squeeze %dma_start3A_294 : memref<1x!tpu.dma_semaphore, #tpu.memory_space<semaphore_mem>> -> memref<!tpu.dma_semaphore, #tpu.memory_space<semaphore_mem>>
      %dma_start3A_296 = arith.constant 0 : i32
      %dma_start3A_297 = tpu.memref_slice %arg4[%add3A_285, %dma_start3A_296] : memref<524288x128xf32, #tpu.memory_space<hbm>> -> memref<64x128xf32, #tpu.memory_space<hbm>>
      %dma_start3A_298 = arith.constant 0 : i32
      %dma_start3A_299 = arith.constant 0 : i32
      %dma_start3A_300 = tpu.memref_slice %arg7[%dma_start3A_286, %dma_start3A_298, %dma_start3A_299] : memref<4x64x128xf32, #tpu.memory_space<vmem>> -> memref<1x64x128xf32, #tpu.memory_space<vmem>>
      %dma_start3A_301 = tpu.memref_squeeze %dma_start3A_300 : memref<1x64x128xf32, #tpu.memory_space<vmem>> -> memref<64x128xf32, #tpu.memory_space<vmem>>
      tpu.enqueue_dma source(%dma_start3A_301 : memref<64x128xf32, #tpu.memory_space<vmem>>) target(%dma_start3A_297 : memref<64x128xf32, #tpu.memory_space<hbm>>) target_semaphore(%dma_start3A_295 : memref<!tpu.dma_semaphore, #tpu.memory_space<semaphore_mem>>)
      %dma_wait3A_302 = arith.constant 1 : i32
      %dma_wait3A_303 = arith.constant 1 : i32
      %dma_wait3A_304 = arith.constant 0 : i32
      %dma_wait3A_305 = arith.constant 0 : i32
      %dma_wait3A_306 = tpu.memref_slice %arg7[%dma_wait3A_302, %dma_wait3A_304, %dma_wait3A_305] : memref<4x64x128xf32, #tpu.memory_space<vmem>> -> memref<1x64x128xf32, #tpu.memory_space<vmem>>
      %dma_wait3A_307 = tpu.memref_squeeze %dma_wait3A_306 : memref<1x64x128xf32, #tpu.memory_space<vmem>> -> memref<64x128xf32, #tpu.memory_space<vmem>>
      %dma_wait3A_308 = arith.constant 0 : i32
      %dma_wait3A_309 = arith.constant 0 : i32
      %dma_wait3A_310 = tpu.memref_slice %arg2[%dma_wait3A_308, %dma_wait3A_309] : memref<8192x128xf32, #tpu.memory_space<hbm>> -> memref<64x128xf32, #tpu.memory_space<hbm>>
      %dma_wait3A_311 = tpu.memref_slice %arg9[%dma_wait3A_303] : memref<4x!tpu.dma_semaphore, #tpu.memory_space<semaphore_mem>> -> memref<1x!tpu.dma_semaphore, #tpu.memory_space<semaphore_mem>>
      %dma_wait3A_312 = tpu.memref_squeeze %dma_wait3A_311 : memref<1x!tpu.dma_semaphore, #tpu.memory_space<semaphore_mem>> -> memref<!tpu.dma_semaphore, #tpu.memory_space<semaphore_mem>>
      %dma_wait3A_313 = arith.constant 0 : i32
      %dma_wait3A_314 = arith.constant 0 : i32
      %dma_wait3A_315 = tpu.memref_slice %arg7[%dma_wait3A_302, %dma_wait3A_313, %dma_wait3A_314] : memref<4x64x128xf32, #tpu.memory_space<vmem>> -> memref<1x64x128xf32, #tpu.memory_space<vmem>>
      %dma_wait3A_316 = tpu.memref_squeeze %dma_wait3A_315 : memref<1x64x128xf32, #tpu.memory_space<vmem>> -> memref<64x128xf32, #tpu.memory_space<vmem>>
      %dma_wait3A_317 = arith.constant 0 : i32
      %dma_wait3A_318 = arith.constant 0 : i32
      %dma_wait3A_319 = tpu.memref_slice %arg2[%dma_wait3A_317, %dma_wait3A_318] : memref<8192x128xf32, #tpu.memory_space<hbm>> -> memref<64x128xf32, #tpu.memory_space<hbm>>
      tpu.wait_dma2 semaphore(%dma_wait3A_312 : memref<!tpu.dma_semaphore, #tpu.memory_space<semaphore_mem>>) src(%dma_wait3A_319 : memref<64x128xf32, #tpu.memory_space<hbm>>) dst(%dma_wait3A_316 : memref<64x128xf32, #tpu.memory_space<vmem>>)
      %lt3A_320 = arith.constant 63 : i32
      %lt3A_321 = arith.cmpi slt, %scan3A_76, %lt3A_320 : i32
      %convert_element_type3A_322 = arith.extui %lt3A_321 : i1 to i32
      %cond3A_323 = arith.constant 0 : i32
      %cond3A_324 = arith.cmpi ne, %convert_element_type3A_322, %cond3A_323 : i32
      scf.if %cond3A_324 {
        %add3A_325 = arith.constant 2 : i32
        %add3A_326 = arith.addi %add3A_264, %add3A_325 : i32
        %dma_start3A_327 = arith.constant 1 : i32
        %dma_start3A_328 = arith.constant 1 : i32
        %dma_start3A_329 = arith.constant 0 : i32
        %dma_start3A_330 = arith.constant 0 : i32
        %dma_start3A_331 = tpu.memref_slice %arg7[%dma_start3A_327, %dma_start3A_329, %dma_start3A_330] : memref<4x64x128xf32, #tpu.memory_space<vmem>> -> memref<1x64x128xf32, #tpu.memory_space<vmem>>
        %dma_start3A_332 = tpu.memref_squeeze %dma_start3A_331 : memref<1x64x128xf32, #tpu.memory_space<vmem>> -> memref<64x128xf32, #tpu.memory_space<vmem>>
        %dma_start3A_333 = arith.constant 0 : i32
        %dma_start3A_334 = tpu.memref_slice %arg6[%add3A_326, %dma_start3A_333] : memref<256x64xi32, #tpu.memory_space<vmem>> -> memref<1x64xi32, #tpu.memory_space<vmem>>
        %dma_start3A_335 = tpu.memref_squeeze %dma_start3A_334 : memref<1x64xi32, #tpu.memory_space<vmem>> -> memref<64xi32, #tpu.memory_space<vmem>>
        %dma_start3A_336 = arith.constant 0 : i32
        %dma_start3A_337 = arith.constant 0 : i32
        %dma_start3A_338 = tpu.memref_slice %arg5[%dma_start3A_336, %dma_start3A_337] : memref<8192x128xf32, #tpu.memory_space<vmem_shared>> -> memref<8192x128xf32, #tpu.memory_space<vmem_shared>>
        %dma_start3A_339 = tpu.memref_slice %arg8[%dma_start3A_328] : memref<4x!tpu.dma_semaphore, #tpu.memory_space<semaphore_mem>> -> memref<1x!tpu.dma_semaphore, #tpu.memory_space<semaphore_mem>>
        %dma_start3A_340 = tpu.memref_squeeze %dma_start3A_339 : memref<1x!tpu.dma_semaphore, #tpu.memory_space<semaphore_mem>> -> memref<!tpu.dma_semaphore, #tpu.memory_space<semaphore_mem>>
        tpu.enqueue_indirect_dma source(%dma_start3A_338 : memref<8192x128xf32, #tpu.memory_space<vmem_shared>>) target(%dma_start3A_332 : memref<64x128xf32, #tpu.memory_space<vmem>>) offsets(%dma_start3A_335 : memref<64xi32, #tpu.memory_space<vmem>>) semaphore(%dma_start3A_340 : memref<!tpu.dma_semaphore, #tpu.memory_space<semaphore_mem>>)
      } else {
      }
    }
    %scan3A_40 = arith.constant 64 : i32
    %dma_wait3A = arith.constant 2 : i32
    %dma_wait3A_41 = arith.constant 2 : i32
    %dma_wait3A_42 = arith.constant 0 : i32
    %dma_wait3A_43 = arith.constant 0 : i32
    %dma_wait3A_44 = tpu.memref_slice %arg7[%dma_wait3A, %dma_wait3A_42, %dma_wait3A_43] : memref<4x64x128xf32, #tpu.memory_space<vmem>> -> memref<1x64x128xf32, #tpu.memory_space<vmem>>
    %dma_wait3A_45 = tpu.memref_squeeze %dma_wait3A_44 : memref<1x64x128xf32, #tpu.memory_space<vmem>> -> memref<64x128xf32, #tpu.memory_space<vmem>>
    %dma_wait3A_46 = arith.constant 0 : i32
    %dma_wait3A_47 = arith.constant 0 : i32
    %dma_wait3A_48 = tpu.memref_slice %arg2[%dma_wait3A_46, %dma_wait3A_47] : memref<8192x128xf32, #tpu.memory_space<hbm>> -> memref<64x128xf32, #tpu.memory_space<hbm>>
    %dma_wait3A_49 = tpu.memref_slice %arg9[%dma_wait3A_41] : memref<4x!tpu.dma_semaphore, #tpu.memory_space<semaphore_mem>> -> memref<1x!tpu.dma_semaphore, #tpu.memory_space<semaphore_mem>>
    %dma_wait3A_50 = tpu.memref_squeeze %dma_wait3A_49 : memref<1x!tpu.dma_semaphore, #tpu.memory_space<semaphore_mem>> -> memref<!tpu.dma_semaphore, #tpu.memory_space<semaphore_mem>>
    %dma_wait3A_51 = arith.constant 0 : i32
    %dma_wait3A_52 = arith.constant 0 : i32
    %dma_wait3A_53 = tpu.memref_slice %arg7[%dma_wait3A, %dma_wait3A_51, %dma_wait3A_52] : memref<4x64x128xf32, #tpu.memory_space<vmem>> -> memref<1x64x128xf32, #tpu.memory_space<vmem>>
    %dma_wait3A_54 = tpu.memref_squeeze %dma_wait3A_53 : memref<1x64x128xf32, #tpu.memory_space<vmem>> -> memref<64x128xf32, #tpu.memory_space<vmem>>
    %dma_wait3A_55 = arith.constant 0 : i32
    %dma_wait3A_56 = arith.constant 0 : i32
    %dma_wait3A_57 = tpu.memref_slice %arg2[%dma_wait3A_55, %dma_wait3A_56] : memref<8192x128xf32, #tpu.memory_space<hbm>> -> memref<64x128xf32, #tpu.memory_space<hbm>>
    tpu.wait_dma2 semaphore(%dma_wait3A_50 : memref<!tpu.dma_semaphore, #tpu.memory_space<semaphore_mem>>) src(%dma_wait3A_57 : memref<64x128xf32, #tpu.memory_space<hbm>>) dst(%dma_wait3A_54 : memref<64x128xf32, #tpu.memory_space<vmem>>)
    %dma_wait3A_58 = arith.constant 3 : i32
    %dma_wait3A_59 = arith.constant 3 : i32
    %dma_wait3A_60 = arith.constant 0 : i32
    %dma_wait3A_61 = arith.constant 0 : i32
    %dma_wait3A_62 = tpu.memref_slice %arg7[%dma_wait3A_58, %dma_wait3A_60, %dma_wait3A_61] : memref<4x64x128xf32, #tpu.memory_space<vmem>> -> memref<1x64x128xf32, #tpu.memory_space<vmem>>
    %dma_wait3A_63 = tpu.memref_squeeze %dma_wait3A_62 : memref<1x64x128xf32, #tpu.memory_space<vmem>> -> memref<64x128xf32, #tpu.memory_space<vmem>>
    %dma_wait3A_64 = arith.constant 0 : i32
    %dma_wait3A_65 = arith.constant 0 : i32
    %dma_wait3A_66 = tpu.memref_slice %arg2[%dma_wait3A_64, %dma_wait3A_65] : memref<8192x128xf32, #tpu.memory_space<hbm>> -> memref<64x128xf32, #tpu.memory_space<hbm>>
    %dma_wait3A_67 = tpu.memref_slice %arg9[%dma_wait3A_59] : memref<4x!tpu.dma_semaphore, #tpu.memory_space<semaphore_mem>> -> memref<1x!tpu.dma_semaphore, #tpu.memory_space<semaphore_mem>>
    %dma_wait3A_68 = tpu.memref_squeeze %dma_wait3A_67 : memref<1x!tpu.dma_semaphore, #tpu.memory_space<semaphore_mem>> -> memref<!tpu.dma_semaphore, #tpu.memory_space<semaphore_mem>>
    %dma_wait3A_69 = arith.constant 0 : i32
    %dma_wait3A_70 = arith.constant 0 : i32
    %dma_wait3A_71 = tpu.memref_slice %arg7[%dma_wait3A_58, %dma_wait3A_69, %dma_wait3A_70] : memref<4x64x128xf32, #tpu.memory_space<vmem>> -> memref<1x64x128xf32, #tpu.memory_space<vmem>>
    %dma_wait3A_72 = tpu.memref_squeeze %dma_wait3A_71 : memref<1x64x128xf32, #tpu.memory_space<vmem>> -> memref<64x128xf32, #tpu.memory_space<vmem>>
    %dma_wait3A_73 = arith.constant 0 : i32
    %dma_wait3A_74 = arith.constant 0 : i32
    %dma_wait3A_75 = tpu.memref_slice %arg2[%dma_wait3A_73, %dma_wait3A_74] : memref<8192x128xf32, #tpu.memory_space<hbm>> -> memref<64x128xf32, #tpu.memory_space<hbm>>
    tpu.wait_dma2 semaphore(%dma_wait3A_68 : memref<!tpu.dma_semaphore, #tpu.memory_space<semaphore_mem>>) src(%dma_wait3A_75 : memref<64x128xf32, #tpu.memory_space<hbm>>) dst(%dma_wait3A_72 : memref<64x128xf32, #tpu.memory_space<vmem>>)
    return
  }
}

module attributes {stable_mosaic.version = 14 : i64} {
  func.func @_emb_body(%arg0: memref<8192x1xf32, #tpu.memory_space<vmem>>, %arg1: memref<8192x128xf32, #tpu.memory_space<vmem>>) attributes {dimension_semantics = [], scalar_prefetch = 0 : i64, scratch_operands = 0 : i64, tpu.core_type = #tpu.core_type<tc>} {
    %get3A = arith.constant 0 : index
    %get3A_0 = arith.constant 0 : index
    %get3A_1 = vector.load %arg0[%get3A, %get3A_0] : memref<8192x1xf32, #tpu.memory_space<vmem>>, vector<8192x1xf32>
    %iota3A = tpu.iota {dimensions = array<i32: 1>} : vector<1x128xi32>
    %convert_element_type3A = arith.sitofp %iota3A : vector<1x128xi32> to vector<1x128xf32>
    %lt3A = arith.constant 6.400000e+01 : f32
    %lt3A_2 = vector.broadcast %lt3A : f32 to vector<1x128xf32>
    %lt3A_3 = arith.cmpf olt, %convert_element_type3A, %lt3A_2 : vector<1x128xf32>
    %sub3A = arith.constant 6.400000e+01 : f32
    %sub3A_4 = vector.broadcast %sub3A : f32 to vector<1x128xf32>
    %sub3A_5 = arith.subf %convert_element_type3A, %sub3A_4 : vector<1x128xf32>
    %select_n3A = arith.select %lt3A_3, %convert_element_type3A, %sub3A_5 : vector<1x128xi1>, vector<1x128xf32>
    %log3A = arith.constant 1.000000e+04 : f32
    %log3A_6 = math.log %log3A : f32
    %neg3A = arith.constant 0.000000e+00 : f32
    %neg3A_7 = arith.subf %neg3A, %log3A_6 : f32
    %mul3A = vector.broadcast %neg3A_7 : f32 to vector<1x128xf32>
    %mul3A_8 = arith.mulf %mul3A, %select_n3A : vector<1x128xf32>
    %div3A = arith.constant 6.300000e+01 : f32
    %div3A_9 = vector.broadcast %div3A : f32 to vector<1x128xf32>
    %div3A_10 = arith.divf %mul3A_8, %div3A_9 : vector<1x128xf32>
    %exp3A = math.exp %div3A_10 : vector<1x128xf32>
    %lt3A_11 = arith.constant 6.400000e+01 : f32
    %lt3A_12 = vector.broadcast %lt3A_11 : f32 to vector<1x128xf32>
    %lt3A_13 = arith.cmpf olt, %convert_element_type3A, %lt3A_12 : vector<1x128xf32>
    %jit3A = arith.constant 0.000000e+00 : f32
    %jit3A_14 = arith.constant 1.57079637 : f32
    %broadcast_in_dim3A = vector.broadcast %jit3A : f32 to vector<1x128xf32>
    %broadcast_in_dim3A_15 = vector.broadcast %jit3A_14 : f32 to vector<1x128xf32>
    %select_n3A_16 = arith.select %lt3A_13, %broadcast_in_dim3A, %broadcast_in_dim3A_15 : vector<1x128xi1>, vector<1x128xf32>
    %mul3A_17 = vector.broadcast %get3A_1 : vector<8192x1xf32> to vector<8192x128xf32>
    %mul3A_18 = vector.broadcast %exp3A : vector<1x128xf32> to vector<8192x128xf32>
    %mul3A_19 = arith.mulf %mul3A_17, %mul3A_18 : vector<8192x128xf32>
    %add3A = vector.broadcast %select_n3A_16 : vector<1x128xf32> to vector<8192x128xf32>
    %add3A_20 = arith.addf %mul3A_19, %add3A : vector<8192x128xf32>
    %mul3A_21 = arith.constant 0.159154937 : f32
    %mul3A_22 = vector.broadcast %mul3A_21 : f32 to vector<8192x128xf32>
    %mul3A_23 = arith.mulf %add3A_20, %mul3A_22 : vector<8192x128xf32>
    %round3A = math.roundeven %mul3A_23 : vector<8192x128xf32>
    %mul3A_24 = arith.constant 6.281250e+00 : f32
    %mul3A_25 = vector.broadcast %mul3A_24 : f32 to vector<8192x128xf32>
    %mul3A_26 = arith.mulf %round3A, %mul3A_25 : vector<8192x128xf32>
    %sub3A_27 = arith.subf %add3A_20, %mul3A_26 : vector<8192x128xf32>
    %mul3A_28 = arith.constant 0.00193530717 : f32
    %mul3A_29 = vector.broadcast %mul3A_28 : f32 to vector<8192x128xf32>
    %mul3A_30 = arith.mulf %round3A, %mul3A_29 : vector<8192x128xf32>
    %sub3A_31 = arith.subf %sub3A_27, %mul3A_30 : vector<8192x128xf32>
    %mul3A_32 = arith.mulf %sub3A_31, %sub3A_31 : vector<8192x128xf32>
    %mul3A_33 = arith.constant 1.60590444E-10 : f32
    %mul3A_34 = vector.broadcast %mul3A_33 : f32 to vector<8192x128xf32>
    %mul3A_35 = arith.mulf %mul3A_34, %mul3A_32 : vector<8192x128xf32>
    %add3A_36 = arith.constant -2.50521079E-8 : f32
    %add3A_37 = vector.broadcast %add3A_36 : f32 to vector<8192x128xf32>
    %add3A_38 = arith.addf %mul3A_35, %add3A_37 : vector<8192x128xf32>
    %mul3A_39 = arith.mulf %add3A_38, %mul3A_32 : vector<8192x128xf32>
    %add3A_40 = arith.constant 2.75573188E-6 : f32
    %add3A_41 = vector.broadcast %add3A_40 : f32 to vector<8192x128xf32>
    %add3A_42 = arith.addf %mul3A_39, %add3A_41 : vector<8192x128xf32>
    %mul3A_43 = arith.mulf %add3A_42, %mul3A_32 : vector<8192x128xf32>
    %add3A_44 = arith.constant -1.98412701E-4 : f32
    %add3A_45 = vector.broadcast %add3A_44 : f32 to vector<8192x128xf32>
    %add3A_46 = arith.addf %mul3A_43, %add3A_45 : vector<8192x128xf32>
    %mul3A_47 = arith.mulf %add3A_46, %mul3A_32 : vector<8192x128xf32>
    %add3A_48 = arith.constant 0.00833333377 : f32
    %add3A_49 = vector.broadcast %add3A_48 : f32 to vector<8192x128xf32>
    %add3A_50 = arith.addf %mul3A_47, %add3A_49 : vector<8192x128xf32>
    %mul3A_51 = arith.mulf %add3A_50, %mul3A_32 : vector<8192x128xf32>
    %add3A_52 = arith.constant -0.166666672 : f32
    %add3A_53 = vector.broadcast %add3A_52 : f32 to vector<8192x128xf32>
    %add3A_54 = arith.addf %mul3A_51, %add3A_53 : vector<8192x128xf32>
    %mul3A_55 = arith.mulf %mul3A_32, %add3A_54 : vector<8192x128xf32>
    %mul3A_56 = arith.mulf %sub3A_31, %mul3A_55 : vector<8192x128xf32>
    %add3A_57 = arith.addf %sub3A_31, %mul3A_56 : vector<8192x128xf32>
    %swap3A = arith.constant 0 : index
    %swap3A_58 = arith.constant 0 : index
    %swap3A_59 = vector.load %arg1[%swap3A, %swap3A_58] : memref<8192x128xf32, #tpu.memory_space<vmem>>, vector<8192x128xf32>
    tpu.vector_store %arg1[%swap3A, %swap3A_58], %add3A_57 {strides = array<i32>} : memref<8192x128xf32, #tpu.memory_space<vmem>>, vector<8192x128xf32>,
    return
  }
}

</mosaic_0001>

<sc_bundles>
// kernel: kernel.4.cloned.1.call-start
scs
__scs_entry_jumppad:
0x0: {  	(pc) =	sbr.rel $0x88, $3  }
0x1: {  	(tag) =	ssettag $0x0;
	lr =	simm.s32 $0x1  }
0x2: {  	[smem:$0x3F9F] =	sst lr;
	_ =	strace $0xD0000000  }
0x3: {  	_ = 	snop  }
0x4: {  	_ = 	snop  }
0x5: {  	_ = 	snop  }
0x6: {  	_ = 	snop  }
0x7: {  	_ = 	snop  }
__scs_overlays_trampoline_lowered:
0x8: {  	[smem:$0x3FAE] =	sst s0  }
0x9: {  	[smem:$0x3FAF] =	sst s1  }
0xa: {  	[smem:$0x3FB0] =	sst s2  }
0xb: {  	[smem:$0x3FB1] =	sst s3  }
0xc: {  	[smem:$0x3FB2] =	sst s4  }
0xd: {  	[smem:$0x3FB3] =	sst s5  }
0xe: {  	[smem:$0x3FB4] =	sst s6  }
0xf: {  	[smem:$0x3FB5] =	sst s7  }
0x10: {  	[smem:$0x3FB6] =	sst s8  }
0x11: {  	[smem:$0x3FB7] =	sst s9;
	s0 =	simm.s32 @!p0 $0x0  }
0x12: {  	s1 =	sld [smem:$0x3F9D];
	s0 =	simm.s32 @p0 $0x1  }
0x13: {  	[smem:$0x3FB8] =	sst s0;
	s0 =	simm.s32 @!p1 $0x0  }
0x14: {  	s2 =	sld [smem:$0x3F9C];
	s0 =	simm.s32 @p1 $0x1  }
0x15: {  	[smem:$0x3FB9] =	sst s0;
	s0 =	simm.s32 @!p2 $0x0  }
0x16: {  	s3 =	sld [smem:$0x3FDB];
	s0 =	simm.s32 @p2 $0x1  }
0x17: {  	s4 =	simm.s32 $0x1BF5;
	[smem:$0x3FBB] =	sst s0  }
0x18: {  	s0 =	sld [smem:$0x3F9E];
	_ =	swait.ge [sflag:s4], $0x0  }
0x19: {  	s7 =	sld [smem:$0x3F9F]  }
0x1a: {  	s8 =	sadd.s32 $0xFFFFE003, lr  }
0x1b: {  	s9 =	sadd.s32 $0xFFFFFEF7, lr;
	s5 =	simm.s32 $0xFFFFFFFF;
	p2 =	slt.u32 s8, $0xFFFFF086  }
0x1c: {  	p1 =	slt.u32 s9, $0xF7A;
	s5 =	simm.s32 @!p2 $0x0  }
0x1d: {  	s5 =	simm.s32 @p1 $0x1;
	p0 =	seq.s32 s7, s2  }
0x1e: {  	s7 =	smul.u32 @!p0 $0xF7A, s2;
	p2 =	seq.s32 @!p0 s5, $0x0  }
0x1f: {  	s9 =	smul.u32 $0xF7A, s1;
	s8 =	simm.s32 @!p0 $0x1BF5;
	p2 =	por !p2, p0  }
0x20: {  	[sflag:s8] =	ssyncset.s32 @!p0 $0xFFFFF086;
	s6 =	sadd.s32 @!p0 s3, s7;
	s7 =	simm.s32 @!p0 $0x108  }
0x21: {  	s3 =	sadd.s32 s3, s9;
	s6 =	sadd.s32 @!p0 $0x88, s6;
	s7 =	simm.s32 @p2 $0x1082  }
0x22: {  	[simem:s7], [sflag:s8] =	dma.local @!p0 [hbm:s6], $0xF7A  }
0x23: {  	s9 =	sor.u32 $0xD0000000, s2;
	s6 =	simm.s32 $0x108;
	_ =	swait.ge @!p0 [sflag:s8], $0x0  }
0x24: {  	s3 =	sadd.s32 $0x88, s3;
	s6 =	simm.s32 @!p1 $0x1082;
	[sflag:s4] =	ssyncset.s32 $0xFFFFF086  }
0x25: {  	[simem:s6], [sflag:s4] =	dma.local [hbm:s3], $0xF7A  }
0x26: {  	[smem:$0x3F9F] =	sst s1;
	(tag) =	ssettag s2;
	_ =	strace s9  }
0x27: {  	s1 =	sld [smem:$0x3FAF]  }
0x28: {  	s2 =	sld [smem:$0x3FB0]  }
0x29: {  	s4 =	sld [smem:$0x3FB2]  }
0x2a: {  	p0 =	seq.s32 s5, $0x0;
	s5 =	sld [smem:$0x3FB3]  }
0x2b: {  	s6 =	sld [smem:$0x3FB4]  }
0x2c: {  	s7 =	sld [smem:$0x3FB5]  }
0x2d: {  	s3 =	simm.s32 $0x108;
	s8 =	sld [smem:$0x3FB6]  }
0x2e: {  	s3 =	simm.s32 @!p0 $0x1082;
	s9 =	sld [smem:$0x3FB7]  }
0x2f: {  	lr =	sadd.s32 s0, s3;
	s0 =	sld [smem:$0x3FAE]  }
0x30: {  	s3 =	sld [smem:$0x3FB1]  }
0x31: {  	[smem:$0x3FBA] =	sst s10  }
0x32: {  	s10 =	sld [smem:$0x3FB8];
	_ =	sdelay $0x3  }
0x33: {  	p0 =	seq.s32 s10, $0x1;
	s10 =	sld [smem:$0x3FBA];
	_ =	sdelay $0x3  }
0x34: {  	[smem:$0x3FBA] =	sst s10  }
0x35: {  	s10 =	sld [smem:$0x3FB9];
	_ =	sdelay $0x3  }
0x36: {  	p1 =	seq.s32 s10, $0x1;
	s10 =	sld [smem:$0x3FBA];
	_ =	sdelay $0x3  }
0x37: {  	[smem:$0x3FBA] =	sst s10  }
0x38: {  	s10 =	sld [smem:$0x3FBB]  }
0x39: {  	_ = 	snop;
	(pc) =	sbr.ind lr, $3  }
0x3a: {  	_ = 	snop  }
0x3b: {  	_ = 	snop  }
0x3c: {  	p2 =	seq.s32 s10, $0x1;
	s10 =	sld [smem:$0x3FBA]  }
0x3d: {  	_ =	shalt  }
0x3e: {  	_ =	shalt  }
0x3f: {  	_ =	shalt  }
0x40: {  	_ =	shalt  }
0x41: {  	_ =	shalt  }
0x42: {  	_ =	shalt  }
0x43: {  	_ =	shalt  }
0x44: {  	_ =	shalt  }
0x45: {  	_ =	shalt  }
0x46: {  	_ =	shalt  }
0x47: {  	_ =	shalt  }
0x48: {  	_ =	shalt  }
0x49: {  	_ =	shalt  }
0x4a: {  	_ =	shalt  }
0x4b: {  	_ =	shalt  }
0x4c: {  	_ =	shalt  }
0x4d: {  	_ =	shalt  }
0x4e: {  	_ =	shalt  }
0x4f: {  	_ =	shalt  }
0x50: {  	_ =	shalt  }
0x51: {  	_ =	shalt  }
0x52: {  	_ =	shalt  }
0x53: {  	_ =	shalt  }
0x54: {  	_ =	shalt  }
0x55: {  	_ =	shalt  }
0x56: {  	_ =	shalt  }
0x57: {  	_ =	shalt  }
0x58: {  	_ =	shalt  }
0x59: {  	_ =	shalt  }
0x5a: {  	_ =	shalt  }
0x5b: {  	_ =	shalt  }
0x5c: {  	_ =	shalt  }
0x5d: {  	_ =	shalt  }
0x5e: {  	_ =	shalt  }
0x5f: {  	_ =	shalt  }
0x60: {  	_ =	shalt  }
0x61: {  	_ =	shalt  }
0x62: {  	_ =	shalt  }
0x63: {  	_ =	shalt  }
0x64: {  	_ =	shalt  }
0x65: {  	_ =	shalt  }
0x66: {  	_ =	shalt  }
0x67: {  	_ =	shalt  }
0x68: {  	_ =	shalt  }
0x69: {  	_ =	shalt  }
0x6a: {  	_ =	shalt  }
0x6b: {  	_ =	shalt  }
0x6c: {  	_ =	shalt  }
0x6d: {  	_ =	shalt  }
0x6e: {  	_ =	shalt  }
0x6f: {  	_ =	shalt  }
0x70: {  	_ =	shalt  }
0x71: {  	_ =	shalt  }
0x72: {  	_ =	shalt  }
0x73: {  	_ =	shalt  }
0x74: {  	_ =	shalt  }
0x75: {  	_ =	shalt  }
0x76: {  	_ =	shalt  }
0x77: {  	_ =	shalt  }
0x78: {  	_ =	shalt  }
0x79: {  	_ =	shalt  }
0x7a: {  	_ =	shalt  }
0x7b: {  	_ =	shalt  }
0x7c: {  	_ =	shalt  }
0x7d: {  	_ =	shalt  }
0x7e: {  	_ =	shalt  }
0x7f: {  	_ =	shalt  }
0x80: {  	_ =	shalt  }
0x81: {  	_ =	shalt  }
0x82: {  	_ =	shalt  }
0x83: {  	_ =	shalt  }
0x84: {  	_ =	shalt  }
0x85: {  	_ =	shalt  }
0x86: {  	_ =	shalt  }
0x87: {  	_ =	shalt  }
.Lfunc_end0:
.L_simem_size_0:
called_computation_lowered:
.L_overlay_start_0:
0x88: {  	s2 =	sld [smem:$0x3FD9]  }
0x89: {  	s3 =	sld [smem:$0x3FFE];
	_ =	sdelay $0x1  }
0x8a: {  	s1 =	srdreg.scid  }
0x8b: {  	s0 =	sand.u32 $0x1, s1  }
0x8c: {  	s17 =	sshll.u32 s0, $0xA;
	s2 =	sadd.s32 s3, s2  }
0x8d: {  	s2 =	sadd.s32 s2, s17  }
0x8e: {  	[smem:$0x3FC6] =	sst s2  }
0x8f: {  	_ = 	snop  }
0x90: {  	s2 =	sld [smem:$0x3FD0];
	(tm) =	ssettm $0x1  }
0x91: {  	s18 =	sld [smem:$0x3FFB];
	_ =	sdelay $0x3  }
0x92: {  	_ =	strace s18  }
0x93: {  	s3 =	sld [smem:$0x3FFC];
	_ =	sdelay $0x3  }
0x94: {  	_ =	strace s3  }
0x95: {  	s3 =	sld [smem:$0x3FFD];
	_ =	sdelay $0x3  }
0x96: {  	_ =	strace s3  }
0x97: {  	_ =	strace $0x8FFFFFFF  }
0x98: {  	s19 =	sld [smem:$0x3FDB];
	_ =	sdelay $0x1  }
0x99: {  	s4 =	simm.s32 $_scs_section_size  }
0x9a: {  	s5 =	simm.s32 $_size__tile_overlayer_lowered;
	s6 =	simm.s32 $_tile_overlayer_lowered  }
0x9b: {  	s22 =	simm.s32 $0x1BFF;
	s21 =	sshll.u32 s6, $0x1;
	s3 =	sadd.s32 s4, s19  }
0x9c: {  	s7 =	simm.s32 $0x0;
	s20 =	sshll.u32 s5, $0x1;
	s5 =	sadd.s32 s21, s3  }
0x9d: {  	[timem:s7], [sflag:s22] =	dma.local [hbm:s5], s20  }
0x9e: {  	_ =	swait.ge [sflag:s22], s20  }
0x9f: {  	s4 =	ssub.s32 $0x0, s20;
	[sflag:s22] =	ssyncset.done $0x0  }
0xa0: {  	[sflag:s22] =	ssyncadd.s32 s4;
	_ =	sdelay $0x1  }
0xa1: {  	s23 =	simm.s32 $0x1B8B  }
0xa2: {  	_ =	swait.ge [sflag:s23], $0x1  }
0xa3: {  	[sflag:s23] =	ssyncset.done $0x0  }
0xa4: {  	s25 =	simm.s32 $0x1B8E;
	s24 =	sld [smem:$0x3FFE];
	[sflag:s23] =	ssyncadd.s32 $0xFFFFFFFF  }
0xa5: {  	s26 =	simm.s32 $execute0_lowered;
	[smem:$0x3FD2] =	sst s25  }
0xa6: {  	s5 =	sshll.u32 s26, $0x1;
	_ =	strace $0x80000046;
	[dreg:$0x1] =	wrdreg $0xFFFFFFFF  }
0xa7: {  	s28 =	simm.s32 $_size_execute0_lowered;
	s3 =	sadd.s32 s3, s5;
	[dreg:$0x0] =	wrdreg $0x0  }
0xa8: {  	s5 =	sshll.u32 s28, $0x1;
	[dreg:$0x2] =	wrdreg s3  }
0xa9: {  	[dreg:$0x3] =	wrdreg s5  }
0xaa: {  	[dreg:$0x4] =	wrdreg $0xC0  }
0xab: {  	_ =	task [dreg:s7], $0x5FFFF  }
0xac: {  	[dreg:$0x1] =	wrdreg $0xFFFFFFFF  }
0xad: {  	[dreg:$0x0] =	wrdreg $0x60  }
0xae: {  	[dreg:$0x2] =	wrdreg s24  }
0xaf: {  	[dreg:$0x3] =	wrdreg s2  }
0xb0: {  	[dreg:$0x4] =	wrdreg $0x0  }
0xb1: {  	[dreg:$0x5] =	wrdreg $0x9  }
0xb2: {  	_ =	task.clear_ibuf [dreg:s7], $0x6FFFF;
	_ =	strace $0x90000046  }
0xb3: {  	s29 =	simm.s32 $0x9;
	_ =	strace $0x80000048  }
0xb4: {  	_ =	swait.ge [sflag:s29], $0x1  }
0xb5: {  	[sflag:s29] =	ssyncadd.s32 $0xFFFFFFFF  }
0xb6: {  	_ =	strace $0x90000048  }
0xb7: {  	_ =	sfence  }
0xb8: {  	s30 =	sld [smem:$0x0];
	_ =	sdelay $0x2  }
0xb9: {  	s31 =	sshll.u32 s1, $0xD;
	s1 =	sshrl.u32 s1, $0x2  }
0xba: {  	s3 =	sand.u32 $0x4000, s31;
	s1 =	sadd.s32 s1, s30  }
0xbb: {  	s0 =	sor.u32 s3, s0;
	s1 =	sshll.u32 s1, $0x11  }
0xbc: {  	s0 =	sor.u32 s1, s0  }
0xbd: {  	s0 =	sadd.s32 $0x8F2B, s0  }
0xbe: {  	[sflag:s0] =	ssyncadd.remote.s32 $0x1  }
0xbf: {  	_ =	sfence.sel $0xFFFF  }
0xc0: {  	[dreg:$0x0] =	wrdreg $0xFFFFFFFF;
	(pc) =	sbr.abs _section_cstart, $3  }
0xc1: {  	[dreg:$0x1] =	wrdreg $0xFFFFFFFF  }
0xc2: {  	_ =	task.clear_ibuf [dreg:s7], $0x2FFFF;
	_ =	strace $0x9FFFFFFF  }
0xc3: {  	(tm) =	ssettm $0x7FFFFFFF  }
tec
execute0_lowered:
.L_overlay_start_1:
0x0: {  	(tag) =	ssettag $0x1  }
0x1: {  	s0 =	rddreg [dreg:$0x0]  }
0x2: {  	s1 =	rddreg [dreg:$0x1]  }
0x3: {  	s2 =	rddreg [dreg:$0x2];
	s3 =	simm.s32 $0x0;
	s10 =	stileid.u32  }
0x4: {  	s4 =	srdreg.scid;
	s14 =	simm.s32 $0x9;
	s15 =	simm.s32 $0x10000  }
0x5: {  	s16 =	simm.s32 $0x40;
	s17 =	simm.s32 $0x18000;
	s19 =	simm.s32 $0x1A000  }
0x6: {  	s28 =	simm.s32 $0x5;
	s30 =	simm.s32 $0x4;
	s31 =	simm.s32 $0x6  }
0x7: {  	s18 =	simm.s32 $0x8;
	[smem:$0x7FF] =	sst s3;
	s9 =	sand.u32 $0x1, s4  }
0x8: {  	s20 =	sshll.u32 s10, $0x1;
	s6 =	sshll.u32 s10, $0xD;
	s22 =	sshll.u32 s10, $0x10  }
0x9: {  	s23 =	sshll.u32 s10, $0x6;
	s26 =	sshll.u32 s10, $0x13;
	_ =	strace $0x80000047  }
0xa: {  	s4 =	sor.u32 s9, s20;
	s5 =	ssub.s32 $0x2, s9;
	s6 =	sadd.s32 s6, s0  }
0xb: {  	s12 =	sadd.s32 s22, s2;
	s25 =	sor.u32 $0x1C09, s23;
	s29 =	sshll.u32 s9, $0x12  }
0xc: {  	s20 =	simm.s32 $0x1;
	s22 =	simm.s32 $0x1C000;
	s23 =	simm.s32 $0x2  }
0xd: {  	s7 =	sshll.u32 s4, $0xC;
	s8 =	sshrl.u32 s5, $0x1;
	s21 =	sshll.u32 s4, $0x12  }
0xe: {  	s24 =	sadd.s32 $0x800, s6;
	[dreg:$0x5] =	wrdreg s25;
	s13 =	sshrl.u32 s12, $0x3  }
0xf: {  	s25 =	simm.s32 $0x1E000;
	s0 =	sadd.s32 s7, s0;
	s8 =	ssub.s32 s5, s8  }
.Ltmp0:
0x10: {  	[dreg:$0x4] =	wrdreg s24;
	s7 =	sadd.s32 s1, s21;
	(pc) =	sbr.rel .LBB2_1-.Ltmp0, $4  }
0x11: {  	s21 =	simm.s32 $0x0;
	s0 =	sadd.s32 $0x20800, s0;
	s8 =	smax.u32 s8, $0x1  }
0x12: {  	s9 =	sadd.s32 $0x400, s7;
	[dreg:$0x6] =	wrdreg s0;
	s0 =	sadd.s32 s26, s1  }
0x13: {  	s10 =	sadd.s32 $0x800, s7;
	s11 =	sadd.s32 $0xC00, s7;
	s0 =	sadd.s32 s29, s0  }
0x14: {  	s26 =	simm.s32 $0x3;
	s1 =	simm.s32 $0x7;
	s24 =	sadd.s32 $0x1000, s0  }
.LBB2_4:
0x15: {  	s21 =	sadd.s32 $0x1, s21  }
0x16: {  	_ =	swait.ge [sflag:s1], $0x2000;
	p0 =	sne.s32 s21, s8  }
.Ltmp1:
0x17: {  	[sflag:s1] =	ssyncset.done $0x0;
	(pc) =	sbr.rel @!p0 .LBB2_5-.Ltmp1, $4  }
0x18: {  	[sflag:s1] =	ssyncadd.s32 $0xFFFFE000  }
0x19: {  	_ =	swait.ge [sflag:s18], $0x2000  }
0x1a: {  	[sflag:s18] =	ssyncset.done $0x0  }
0x1b: {  	[sflag:s18] =	ssyncadd.s32 $0xFFFFE000  }
.LBB2_1:
0x1c: {  	s0 =	rddreg [dreg:$0x4]  }
0x1d: {  	s4 =	rddreg [dreg:$0x5]  }
0x1e: {  	[spmem:s13], [sflag:s4] =	dma.local [hbm:s0], $0x2000  }
0x1f: {  	_ =	swait.ge [sflag:s14], $0x2000  }
0x20: {  	[sflag:s14] =	ssyncset.done $0x0  }
0x21: {  	s6 =	rddreg [dreg:$0x6];
	[sflag:s14] =	ssyncadd.s32 $0xFFFFE000  }
0x22: {  	[tilespmem:s15], [sflag:$0x9] =	stream.linear.gather [hbm4b:s6+s3], $0x8000, $0x38;
	v63 =	vld [tilespmem:$0x0]  }
0x23: {  	_ =	swait.ge [sflag:s14], $0x8000  }
0x24: {  	[sflag:s14] =	ssyncset.done $0x0  }
0x25: {  	[sflag:s14] =	ssyncadd.s32 $0xFFFF8000  }
0x26: {  	[bflag:$0x0] =	sbarrier.arrive $0xFFFF  }
0x27: {  	[tilespmem:s17], [sflag:$0x1] =	stream.indirect.gather [spmem:s2], $0x80, s15, s16, $0xb8;
	v63 =	vld [tilespmem:$0x0]  }
0x28: {  	s12 =	simm.s32 $0x10080  }
0x29: {  	[tilespmem:s19], [sflag:$0x2] =	stream.indirect.gather [spmem:s2], $0x80, s12, s16, $0xb8;
	v63 =	vld [tilespmem:$0x0]  }
0x2a: {  	_ =	swait.ge [sflag:s20], $0x2000  }
0x2b: {  	[sflag:s20] =	ssyncset.done $0x0  }
0x2c: {  	[sflag:s20] =	ssyncadd.s32 $0xFFFFE000  }
0x2d: {  	[hbm4b:s7+s3] =	stream.linear.scatter [tilespmem:s17], [sflag:$0x5], $0x2000, $0x38;
	v63 =	vld [tilespmem:$0x0]  }
0x2e: {  	s4 =	simm.s32 $0x10100  }
0x2f: {  	[tilespmem:s22], [sflag:$0x3] =	stream.indirect.gather [spmem:s2], $0x80, s4, s16, $0xb8;
	v63 =	vld [tilespmem:$0x0]  }
0x30: {  	_ =	swait.ge [sflag:s23], $0x2000  }
0x31: {  	[sflag:s23] =	ssyncset.done $0x0  }
0x32: {  	[sflag:s23] =	ssyncadd.s32 $0xFFFFE000  }
0x33: {  	[hbm4b:s9+s3] =	stream.linear.scatter [tilespmem:s19], [sflag:$0x6], $0x2000, $0x38;
	v63 =	vld [tilespmem:$0x0]  }
0x34: {  	s5 =	simm.s32 $0x10180  }
0x35: {  	[tilespmem:s25], [sflag:$0x4] =	stream.indirect.gather [spmem:s2], $0x80, s5, s16, $0xb8;
	v63 =	vld [tilespmem:$0x0]  }
0x36: {  	_ =	swait.ge [sflag:s26], $0x2000  }
0x37: {  	[sflag:s26] =	ssyncset.done $0x0  }
0x38: {  	[sflag:s26] =	ssyncadd.s32 $0xFFFFE000  }
0x39: {  	[hbm4b:s10+s3] =	stream.linear.scatter [tilespmem:s22], [sflag:$0x7], $0x2000, $0x38;
	v63 =	vld [tilespmem:$0x0]  }
0x3a: {  	_ =	swait.ge [sflag:s28], $0x2000  }
0x3b: {  	[sflag:s28] =	ssyncset.done $0x0  }
0x3c: {  	s6 =	simm.s32 $0x10200;
	[sflag:s28] =	ssyncadd.s32 $0xFFFFE000  }
0x3d: {  	[tilespmem:s17], [sflag:$0x1] =	stream.indirect.gather [spmem:s2], $0x80, s6, s16, $0xb8;
	v63 =	vld [tilespmem:$0x0]  }
0x3e: {  	_ =	swait.ge [sflag:s30], $0x2000  }
0x3f: {  	[sflag:s30] =	ssyncset.done $0x0  }
0x40: {  	[sflag:s30] =	ssyncadd.s32 $0xFFFFE000  }
0x41: {  	[hbm4b:s11+s3] =	stream.linear.scatter [tilespmem:s25], [sflag:$0x8], $0x2000, $0x38;
	v63 =	vld [tilespmem:$0x0]  }
0x42: {  	_ =	swait.ge [sflag:s31], $0x2000  }
0x43: {  	[sflag:s31] =	ssyncset.done $0x0  }
0x44: {  	s12 =	simm.s32 $0x10280;
	[sflag:s31] =	ssyncadd.s32 $0xFFFFE000  }
0x45: {  	[tilespmem:s19], [sflag:$0x2] =	stream.indirect.gather [spmem:s2], $0x80, s12, s16, $0xb8;
	v63 =	vld [tilespmem:$0x0]  }
0x46: {  	s29 =	simm.s32 $0x0;
	s12 =	smov.u32 s24  }
.LBB2_2:
0x47: {  	_ =	swait.ge [sflag:s20], $0x2000  }
0x48: {  	[sflag:s20] =	ssyncset.done $0x0  }
0x49: {  	[sflag:s20] =	ssyncadd.s32 $0xFFFFE000  }
0x4a: {  	[hbm4b:s12+s3] =	stream.linear.scatter [tilespmem:s17], [sflag:$0x5], $0x2000, $0x38;
	v63 =	vld [tilespmem:$0x0]  }
0x4b: {  	_ =	swait.ge [sflag:s1], $0x2000  }
0x4c: {  	s0 =	sshra.s32 s29, $0x2;
	[sflag:s1] =	ssyncset.done $0x0  }
0x4d: {  	s4 =	sadd.s32 $0x10300, s0;
	[sflag:s1] =	ssyncadd.s32 $0xFFFFE000  }
0x4e: {  	[tilespmem:s22], [sflag:$0x3] =	stream.indirect.gather [spmem:s2], $0x80, s4, s16, $0xb8;
	v63 =	vld [tilespmem:$0x0]  }
0x4f: {  	_ =	swait.ge [sflag:s23], $0x2000  }
0x50: {  	[sflag:s23] =	ssyncset.done $0x0  }
0x51: {  	s5 =	sadd.s32 $0x400, s12;
	[sflag:s23] =	ssyncadd.s32 $0xFFFFE000  }
0x52: {  	[hbm4b:s5+s3] =	stream.linear.scatter [tilespmem:s19], [sflag:$0x6], $0x2000, $0x38;
	v63 =	vld [tilespmem:$0x0]  }
0x53: {  	_ =	swait.ge [sflag:s18], $0x2000  }
0x54: {  	[sflag:s18] =	ssyncset.done $0x0  }
0x55: {  	s6 =	sadd.s32 $0x10380, s0;
	[sflag:s18] =	ssyncadd.s32 $0xFFFFE000  }
0x56: {  	[tilespmem:s25], [sflag:$0x4] =	stream.indirect.gather [spmem:s2], $0x80, s6, s16, $0xb8;
	v63 =	vld [tilespmem:$0x0]  }
0x57: {  	_ =	swait.ge [sflag:s26], $0x2000  }
0x58: {  	[sflag:s26] =	ssyncset.done $0x0  }
0x59: {  	p0 =	seq.s32 s29, $0x1F000;
	s5 =	sadd.s32 $0x800, s12;
	[sflag:s26] =	ssyncadd.s32 $0xFFFFE000  }
0x5a: {  	[hbm4b:s5+s3] =	stream.linear.scatter [tilespmem:s22], [sflag:$0x7], $0x2000, $0x38;
	v63 =	vld [tilespmem:$0x0]  }
0x5b: {  	s4 =	sshra.s32 @!p0 s29, $0x2;
	_ =	swait.ge [sflag:s28], $0x2000  }
0x5c: {  	s4 =	sadd.s32 @!p0 $0x10400, s4;
	[sflag:s28] =	ssyncset.done $0x0  }
0x5d: {  	s6 =	simm.s32 @!p0 $0x18000;
	s5 =	simm.s32 @!p0 $0x40;
	[sflag:s28] =	ssyncadd.s32 $0xFFFFE000  }
0x5e: {  	[tilespmem:s6], [sflag:$0x1] =	stream.indirect.gather @!p0 [spmem:s2], $0x80, s4, s5, $0xb8;
	v63 =	vld [tilespmem:$0x0]  }
0x5f: {  	_ =	swait.ge [sflag:s30], $0x2000  }
0x60: {  	[sflag:s30] =	ssyncset.done $0x0  }
.Ltmp2:
0x61: {  	s6 =	sadd.s32 $0xC00, s12;
	[sflag:s30] =	ssyncadd.s32 $0xFFFFE000;
	(pc) =	sbr.rel @p0 .LBB2_4-.Ltmp2, $4  }
0x62: {  	[hbm4b:s6+s3] =	stream.linear.scatter [tilespmem:s25], [sflag:$0x8], $0x2000, $0x38;
	v63 =	vld [tilespmem:$0x0]  }
0x63: {  	_ =	swait.ge [sflag:s31], $0x2000  }
0x64: {  	[sflag:s31] =	ssyncset.done $0x0  }
0x65: {  	[sflag:s31] =	ssyncadd.s32 $0xFFFFE000  }
.Ltmp3:
0x66: {  	(pc) =	sbr.rel .LBB2_2-.Ltmp3, $3  }
0x67: {  	_ =	sdelay $0x1  }
0x68: {  	s0 =	sadd.s32 $0x10480, s0;
	s29 =	sadd.s32 $0x800, s29;
	s12 =	sadd.s32 $0x1000, s12  }
0x69: {  	[tilespmem:s19], [sflag:$0x2] =	stream.indirect.gather [spmem:s2], $0x80, s0, s16, $0xb8;
	v63 =	vld [tilespmem:$0x0]  }
.LBB2_5:
0x6a: {  	_ =	sfence.sel $0x180000  }
0x6b: {  	[bflag:$0x0] =	sbarrier.arrive $0xFFFF  }
0x6c: {  	_ =	strace $0x90000047  }
0x6d: {  	s0 =	stileid.u32;
	[bflag:$0x2] =	sbarrier.arrive $0xFFFF  }
0x6e: {  	p0 =	sne.s32 s0, $0x0;
	s0 =	rddreg [dreg:$0x3]  }
0x6f: {  	s0 =	sadd.s32 @!p0 $0x100000, s0  }
0x70: {  	[sflag:s0] =	ssyncadd.tile.s32 @!p0 $0x1;
	_ =	shalt  }
.Lfunc_end2:
_tile_overlayer_lowered:
.L_overlay_start_2:
0x71: {  	(tag) =	ssettag $0x2  }
0x72: {  	s0 =	rddreg [dreg:$0x0];
	s2 =	stileid.u32  }
0x73: {  	s1 =	rddreg [dreg:$0x1];
	p0 =	sne.s32 s2, $0x0  }
0x74: {  	s3 =	rddreg [dreg:$0x2];
	[bflag:$0x3] =	sbarrier.arrive $0xFFFF;
	s2 =	simm.s32 @!p0 $0x1C09  }
0x75: {  	[timem:s3], [sflag:s2] =	dma.local @!p0 [hbm:s0], s1  }
0x76: {  	s0 =	simm.s32 @!p0 $0x9  }
0x77: {  	_ =	swait.ge @!p0 [sflag:s0], s1  }
0x78: {  	s1 =	ssub.s32 @!p0 $0x0, s1;
	[sflag:s0] =	ssyncset.done @!p0 $0x0  }
0x79: {  	[sflag:s0] =	ssyncadd.s32 @!p0 s1  }
0x7a: {  	[bflag:$0x3] =	sbarrier.arrive $0xFFFF  }
0x7b: {  	_ =	shalt  }

</sc_bundles>
